<compile_context>
chip_gen: v7x
topology: tpu7x:2x2x1
jax: 0.10.2.dev20260603
libtpu: 0.0.44.dev20260713+nightly
codegen_flags: <defaults>
</compile_context>

<pallas_src>
import functools

import jax
import jax.numpy as jnp
from jax import lax
from jax.experimental import pallas as pl
from jax.experimental.pallas import tpu as pltpu
from jax.experimental.pallas import tpu_sc as plsc

N = 10000
NP = 10240
IN_DIM = 256
HID = 512
H2 = 1024
E2 = 320000
NUM_GRAPHS = 64

_NC, _NS = 2, 16
_NW = _NC * _NS
EPW = E2 // _NW

RA = 1024
RD = 1024

@functools.cache
def _sc_mesh():
    return plsc.VectorSubcoreMesh(
        core_axis_name="c", subcore_axis_name="s",
        num_cores=_NC, num_subcores=_NS)


def _row_sum(z):
    acc = z[:, 0:128]
    for c in range(1, 8):
        acc = acc + z[:, c * 128:(c + 1) * 128]
    g = acc[:, 0:8]
    for i in range(1, 16):
        g = g + acc[:, i * 8:(i + 1) * 8]
    b4 = g[:, 0:4] + g[:, 4:8]
    b2 = b4[:, 0:2] + b4[:, 2:4]
    return b2[:, 0:1] + b2[:, 1:2]


def _head_body(h_ref, w1_ref, b1_ref, gm_ref, bt_ref, w2_ref, b2_ref, o_ref,
               z_out, ln_out):
    z = lax.dot_general(h_ref[...].astype(jnp.bfloat16),
                        w1_ref[...].astype(jnp.bfloat16),
                        (((1,), (1,)), ((), ())),
                        preferred_element_type=jnp.float32)
    z = z + b1_ref[...][None, :]
    z_out[...] = z
    mu = _row_sum(z) * (1.0 / H2)
    var = _row_sum((z - mu) ** 2) * (1.0 / H2)
    z = (z - mu) / jnp.sqrt(var + 1e-5) * gm_ref[...][None, :] + bt_ref[...][None, :]
    zl = jnp.maximum(z, 0.0)
    ln_out[...] = zl
    y = lax.dot_general(zl.astype(jnp.bfloat16),
                        w2_ref[...].astype(jnp.bfloat16),
                        (((1,), (1,)), ((), ())),
                        preferred_element_type=jnp.float32)
    o_ref[...] = jax.nn.sigmoid(y[:, :1] + b2_ref[0])


def _head_call(h_pad, W1, b1, gamma, beta, W2, b2):
    W2p = jnp.pad(W2, ((0, 128 - W2.shape[0]), (0, 0)))
    return pl.pallas_call(
        _head_body,
        grid=(NP // RA,),
        in_specs=[
            pl.BlockSpec((RA, HID), lambda i: (i, 0)),
            pl.BlockSpec((H2, HID), lambda i: (0, 0)),
            pl.BlockSpec((H2,), lambda i: (0,)),
            pl.BlockSpec((H2,), lambda i: (0,)),
            pl.BlockSpec((H2,), lambda i: (0,)),
            pl.BlockSpec((128, H2), lambda i: (0, 0)),
            pl.BlockSpec(memory_space=pltpu.SMEM),
        ],
        out_specs=[pl.BlockSpec((RA, 1), lambda i: (i, 0)),
                   pl.BlockSpec((RA, H2), lambda i: (i, 0)),
                   pl.BlockSpec((RA, H2), lambda i: (i, 0))],
        out_shape=[jax.ShapeDtypeStruct((NP, 1), jnp.float32),
                   jax.ShapeDtypeStruct((NP, H2), jnp.float32),
                   jax.ShapeDtypeStruct((NP, H2), jnp.float32)],
    )(h_pad, W1, b1, gamma, beta, W2p, b2)[0]


def _edge_body(edge_hbm, out_hbm, idx_v, mask_v):
    wid = lax.axis_index("s") * _NC + lax.axis_index("c")
    pltpu.sync_copy(edge_hbm.at[pl.ds(wid * EPW, EPW)], idx_v)
    zeros16 = jnp.zeros((16,), jnp.int32)
    ones16 = jnp.ones((16,), jnp.int32)

    def zbody(c, carry):
        mask_v[pl.ds(c * 16, 16)] = zeros16
        return carry
    lax.fori_loop(0, NP // 16, zbody, 0)

    def sbody(c, carry):
        idx = idx_v[pl.ds(c * 16, 16)]
        plsc.store_scatter(mask_v, [idx], ones16)
        return carry
    lax.fori_loop(0, EPW // 16, sbody, 0)
    pltpu.sync_copy(mask_v, out_hbm.at[wid])


def _edge_call(edge_flat):
    return pl.kernel(
        _edge_body,
        out_type=jax.ShapeDtypeStruct((_NW, NP), jnp.int32),
        mesh=_sc_mesh(),
        scratch_types=[
            pltpu.VMEM((EPW,), jnp.int32),
            pltpu.VMEM((NP,), jnp.int32),
        ],
        compiler_params=pltpu.CompilerParams(needs_layout_passes=False),
    )(edge_flat)


def _topk_body(logits_hbm, batch_hbm, out_hbm, lg_v, bt_v, keep_v):
    wid = lax.axis_index("s") * _NC + lax.axis_index("c")
    pltpu.sync_copy(logits_hbm, lg_v.at[pl.ds(0, NP)])
    pltpu.sync_copy(batch_hbm, bt_v.at[pl.ds(0, NP)])
    zeros16 = jnp.zeros((16,), jnp.float32)

    def zbody(c, carry):
        keep_v[pl.ds(c * 16, 16)] = zeros16
        return carry
    lax.fori_loop(0, NP // 16, zbody, 0)

    lane = lax.iota(jnp.int32, 16)

    def lower_bound(tgt):
        def bbody(_, lh):
            lo, hi = lh
            mid = (lo + hi) // 2
            p = bt_v[pl.ds(mid, 16)][0] < tgt
            return (jnp.where(p, mid + 1, lo), jnp.where(p, hi, mid))
        lo, _ = lax.fori_loop(0, 14, bbody,
                              (jnp.int32(0), jnp.int32(NP)))
        return lo

    def do_graph(g):
        s = lower_bound(g)
        e = lower_bound(g + 1)
        n = e - s
        k = (9 * n + 9) // 10
        c0 = s // 16
        c1 = (e + 15) // 16

        def chunk_body(c, carry):
            base = c * 16
            gidx = base + lane
            li = lg_v[pl.ds(base, 16)]
            valid = (gidx >= s) & (gidx < e)

            def jbody(j, cnt):
                lj = jnp.full((16,), lg_v[pl.ds(j, 16)][0], jnp.float32)
                cond = (lj > li) | ((lj == li) & (j < gidx))
                return cnt + jnp.where(cond, 1, 0)
            cnt = lax.fori_loop(s, e, jbody, jnp.zeros((16,), jnp.int32))
            kv = jnp.where(cnt < k, 1.0, 0.0)
            gidx_safe = jnp.where(valid, gidx, NP + lane)
            plsc.store_scatter(keep_v, [gidx_safe], kv)
            return carry
        lax.fori_loop(c0, c1, chunk_body, 0)

    do_graph(wid * 2)
    do_graph(wid * 2 + 1)
    pltpu.sync_copy(keep_v.at[pl.ds(0, NP)], out_hbm.at[wid])


def _topk_call(logits_flat, batch_pad):
    return pl.kernel(
        _topk_body,
        out_type=jax.ShapeDtypeStruct((_NW, NP), jnp.float32),
        mesh=_sc_mesh(),
        scratch_types=[
            pltpu.VMEM((NP + 16,), jnp.float32),
            pltpu.VMEM((NP + 16,), jnp.int32),
            pltpu.VMEM((NP + 16,), jnp.float32),
        ],
        compiler_params=pltpu.CompilerParams(needs_layout_passes=False),
    )(logits_flat, batch_pad)


def _finish_body(x_ref, n_ref, l_ref, kp_ref, ep_ref, xo_ref, eo_ref):
    keep = jnp.sum(kp_ref[...], axis=0).reshape(RD, 1)
    lg = l_ref[...]
    noise = n_ref[...] * 0.5 + 0.5
    xo_ref[...] = keep * (x_ref[...] * lg) + (1.0 - keep) * noise
    em = jnp.sum(ep_ref[...], axis=0).reshape(RD, 1)
    eo_ref[...] = (em > 0).astype(jnp.int32)


def _finish_call(x_pad, noise_raw, logits2d, keepP, edgeP):
    return pl.pallas_call(
        _finish_body,
        grid=(NP // RD,),
        in_specs=[
            pl.BlockSpec((RD, IN_DIM), lambda i: (i, 0)),
            pl.BlockSpec((RD, IN_DIM), lambda i: (i, 0)),
            pl.BlockSpec((RD, 1), lambda i: (i, 0)),
            pl.BlockSpec((_NW, RD), lambda i: (0, i)),
            pl.BlockSpec((_NW, RD), lambda i: (0, i)),
        ],
        out_specs=[
            pl.BlockSpec((RD, IN_DIM), lambda i: (i, 0)),
            pl.BlockSpec((RD, 1), lambda i: (i, 0)),
        ],
        out_shape=[
            jax.ShapeDtypeStruct((NP, IN_DIM), jnp.float32),
            jax.ShapeDtypeStruct((NP, 1), jnp.int32),
        ],
    )(x_pad, noise_raw, logits2d, keepP, edgeP)


def kernel(x, h, g, edge_index, batch_ids, W1, b1, gamma, beta, W2, b2):
    del g
    h_pad = jnp.pad(h, ((0, NP - N), (0, 0)))
    x_pad = jnp.pad(x, ((0, NP - N), (0, 0)))
    batch_pad = jnp.pad(batch_ids, (0, NP - N), constant_values=NUM_GRAPHS)
    noise_raw = jax.random.normal(jax.random.key(42), (N, IN_DIM), jnp.float32)
    noise_pad = jnp.pad(noise_raw, ((0, NP - N), (0, 0)))
    edge_flat = edge_index.reshape(-1)

    logits2d = _head_call(h_pad, W1, b1, gamma, beta, W2, b2)
    edgeP = _edge_call(edge_flat)
    keepP = _topk_call(logits2d.reshape(NP), batch_pad)
    x_new_pad, edge2d = _finish_call(x_pad, noise_pad, logits2d, keepP, edgeP)

    x_new = x_new_pad[:N]
    node_weight = logits2d[:N, 0]
    edge_mask = edge2d[:N, 0] != 0
    return (x_new, node_weight, edge_mask)

# --- scband reference (transcript-rebuilt; emitter-appended) ---
"""Pipeline reference for scband-attr-sampler-46033459479301 (READ-ONLY COPY).

The authoritative reference and input builder live on the scoring server;
editing this copy changes nothing except your own understanding.
"""

import jax, jax.numpy as jnp
import numpy as np

N = 10000
IN_DIM = 256
HID = 512
E = 160000
NUM_GRAPHS = 64
RATIO = 0.9


def setup_inputs(seed: int = 0) -> dict:
    key = jax.random.key(seed)
    ks = jax.random.split(key, 8)
    x = jax.random.normal(ks[0], (N, IN_DIM), dtype=jnp.float32)
    h = jax.random.normal(ks[1], (N, HID), dtype=jnp.float32)
    g = jax.random.normal(ks[2], (NUM_GRAPHS, HID), dtype=jnp.float32)
    edge_index = jax.random.randint(ks[3], (2, E), 0, N, dtype=jnp.int32)
    batch_ids = jnp.sort(jax.random.randint(ks[4], (N,), 0, NUM_GRAPHS, dtype=jnp.int32))
    # head = Linear(HID, 2*HID) -> LayerNorm(2*HID) -> ReLU -> Linear(2*HID, 1)
    W1 = jax.random.normal(ks[5], (2 * HID, HID), dtype=jnp.float32) * (1.0 / np.sqrt(HID))
    b1 = jnp.zeros((2 * HID,), dtype=jnp.float32)
    gamma = jnp.ones((2 * HID,), dtype=jnp.float32)
    beta = jnp.zeros((2 * HID,), dtype=jnp.float32)
    W2 = jax.random.normal(ks[6], (1, 2 * HID), dtype=jnp.float32) * (1.0 / np.sqrt(2 * HID))
    b2 = jnp.zeros((1,), dtype=jnp.float32)
    return {"x": x, "h": h, "g": g, "edge_index": edge_index, "batch_ids": batch_ids,
            "W1": W1, "b1": b1, "gamma": gamma, "beta": beta, "W2": W2, "b2": b2}


def _head(h, W1, b1, gamma, beta, W2, b2):
    z = h @ W1.T + b1
    mu = jnp.mean(z, axis=-1, keepdims=True)
    var = jnp.var(z, axis=-1, keepdims=True)
    z = (z - mu) / jnp.sqrt(var + 1e-5) * gamma + beta
    z = jax.nn.relu(z)
    return z @ W2.T + b2  # [N, 1]


def _per_graph_topk_mask(logits, batch_ids, ratio, num_graphs):
    # keep top ceil(ratio * n_g) nodes per graph (by logit), PyG-style ratio topk
    n = logits.shape[0]
    counts = jnp.bincount(batch_ids, length=num_graphs)
    k = jnp.ceil(ratio * counts.astype(jnp.float32)).astype(jnp.int32)
    order = jnp.lexsort((-logits, batch_ids))  # primary: graph id, secondary: -logit
    sb = batch_ids[order]
    starts = jnp.concatenate([jnp.zeros((1,), counts.dtype), jnp.cumsum(counts)[:-1]])
    pos = jnp.arange(n) - starts[sb]
    keep_sorted = pos < k[sb]
    keep = jnp.zeros((n,), dtype=bool).at[order].set(keep_sorted)
    return keep


def reference(x, h, g, edge_index, batch_ids, W1, b1, gamma, beta, W2, b2):
    logits = jax.nn.sigmoid(_head(h, W1, b1, gamma, beta, W2, b2)).squeeze(-1)  # [N]
    keep = _per_graph_topk_mask(logits, batch_ids, RATIO, NUM_GRAPHS)
    # kept nodes: x * logit; dropped nodes: replaced by Normal(0.5, 0.5) noise
    noise = jax.random.normal(jax.random.key(42), x.shape, dtype=jnp.float32) * 0.5 + 0.5
    x_new = jnp.where(keep[:, None], x * logits[:, None], noise)
    node_weight = logits
    edge_mask = jnp.zeros((x.shape[0],), dtype=bool).at[edge_index.reshape(-1)].set(True)
    return (x_new, node_weight, edge_mask)

if __name__ == "__main__":
    import jax
    _d = setup_inputs()
    print(jax.jit(kernel)(*tuple(_d.values())))

</pallas_src>

<mosaic_0001>
#map = affine_map<(d0, d1) -> (0)>
#map1 = affine_map<(d0, d1) -> (0, 0)>
module attributes {stable_mosaic.version = 14 : i64} {
  func.func @_edge_body(%arg0: i32, %arg1: i32, %arg2: memref<320000xi32, #tpu.memory_space<hbm>>, %arg3: memref<32x10240xi32, #tpu.memory_space<hbm>>, %arg4: memref<10000xi32, #tpu.memory_space<vmem>>, %arg5: memref<10240xi32, #tpu.memory_space<vmem>>) attributes {dimension_semantics = [#tpu.dimension_semantics<core_parallel>, #tpu.dimension_semantics<subcore_parallel>], iteration_bounds = array<i64: 2, 16>, scalar_prefetch = 0 : i64, scratch_operands = 2 : i64, tpu.core_type = #tpu.core_type<sc_vector_subcore>, window_params = [{transform_indices = #map}, {transform_indices = #map1}]} {
    %mul3A = arith.constant 2 : i32
    %mul3A_0 = arith.muli %arg1, %mul3A : i32
    %add3A = arith.addi %mul3A_0, %arg0 : i32
    %mul3A_1 = arith.constant 10000 : i32
    %mul3A_2 = arith.muli %add3A, %mul3A_1 : i32
    "tpu.region"() ({
      %run_scoped3A = tpu.sem_alloc : memref<!tpu.dma_semaphore, #tpu.memory_space<semaphore_mem>>
      %dma_start3A = tpu.memref_slice %arg2[%mul3A_2] : memref<320000xi32, #tpu.memory_space<hbm>> -> memref<10000xi32, #tpu.memory_space<hbm>>
      %dma_start3A_17 = tpu.memref_slice %arg2[%mul3A_2] : memref<320000xi32, #tpu.memory_space<hbm>> -> memref<10000xi32, #tpu.memory_space<hbm>>
      tpu.enqueue_dma source(%dma_start3A_17 : memref<10000xi32, #tpu.memory_space<hbm>>) target(%arg4 : memref<10000xi32, #tpu.memory_space<vmem>>) target_semaphore(%run_scoped3A : memref<!tpu.dma_semaphore, #tpu.memory_space<semaphore_mem>>)
      %dma_wait3A = tpu.memref_slice %arg2[%mul3A_2] : memref<320000xi32, #tpu.memory_space<hbm>> -> memref<10000xi32, #tpu.memory_space<hbm>>
      %dma_wait3A_18 = tpu.memref_slice %arg2[%mul3A_2] : memref<320000xi32, #tpu.memory_space<hbm>> -> memref<10000xi32, #tpu.memory_space<hbm>>
      tpu.wait_dma2 semaphore(%run_scoped3A : memref<!tpu.dma_semaphore, #tpu.memory_space<semaphore_mem>>) src(%dma_wait3A_18 : memref<10000xi32, #tpu.memory_space<hbm>>) dst(%arg4 : memref<10000xi32, #tpu.memory_space<vmem>>)
      tpu.yield
    }) : () -> ()
    %broadcast_in_dim3A = arith.constant 0 : i32
    %broadcast_in_dim3A_3 = vector.broadcast %broadcast_in_dim3A : i32 to vector<16xi32>
    %broadcast_in_dim3A_4 = arith.constant 1 : i32
    %broadcast_in_dim3A_5 = vector.broadcast %broadcast_in_dim3A_4 : i32 to vector<16xi32>
    %scan3A = arith.constant 0 : i32
    %scan3A_6 = arith.constant 0 : i32
    %scan3A_7 = arith.constant 640 : i32
    %scan3A_8 = arith.addi %scan3A_6, %scan3A_7 : i32
    %scan3A_9 = arith.constant 1 : i32
    scf.for %scan3A_17 = %scan3A_6 to %scan3A_8 step %scan3A_9  : i32 {
      %mul3A_18 = arith.constant 16 : i32
      %mul3A_19 = arith.muli %scan3A_17, %mul3A_18 : i32
      %swap3A = arith.index_cast %mul3A_19 : i32 to index
      %swap3A_20 = tpu.vector_load %arg5[%swap3A] {strides = array<i32>} : memref<10240xi32, #tpu.memory_space<vmem>>, vector<16xi32>,
      tpu.vector_store %arg5[%swap3A], %broadcast_in_dim3A_3 {strides = array<i32>} : memref<10240xi32, #tpu.memory_space<vmem>>, vector<16xi32>,
    }
    %scan3A_10 = arith.constant 640 : i32
    %scan3A_11 = arith.constant 0 : i32
    %scan3A_12 = arith.constant 0 : i32
    %scan3A_13 = arith.constant 625 : i32
    %scan3A_14 = arith.addi %scan3A_12, %scan3A_13 : i32
    %scan3A_15 = arith.constant 1 : i32
    scf.for %scan3A_17 = %scan3A_12 to %scan3A_14 step %scan3A_15  : i32 {
      %mul3A_18 = arith.constant 16 : i32
      %mul3A_19 = arith.muli %scan3A_17, %mul3A_18 : i32
      %get3A = arith.index_cast %mul3A_19 : i32 to index
      %get3A_20 = tpu.vector_load %arg4[%get3A] {strides = array<i32>} : memref<10000xi32, #tpu.memory_space<vmem>>, vector<16xi32>,
      tpu.vector_store_idx %arg5[%get3A_20], %broadcast_in_dim3A_5 : memref<10240xi32, #tpu.memory_space<vmem>>[vector<16xi32>], vector<16xi32>,
    }
    %scan3A_16 = arith.constant 625 : i32
    "tpu.region"() ({
      %run_scoped3A = tpu.sem_alloc : memref<!tpu.dma_semaphore, #tpu.memory_space<semaphore_mem>>
      %dma_start3A = arith.constant 0 : i32
      %dma_start3A_17 = tpu.memref_slice %arg3[%add3A, %dma_start3A] : memref<32x10240xi32, #tpu.memory_space<hbm>> -> memref<1x10240xi32, #tpu.memory_space<hbm>>
      %dma_start3A_18 = tpu.memref_squeeze %dma_start3A_17 : memref<1x10240xi32, #tpu.memory_space<hbm>> -> memref<10240xi32, #tpu.memory_space<hbm>>
      %dma_start3A_19 = arith.constant 0 : i32
      %dma_start3A_20 = tpu.memref_slice %arg3[%add3A, %dma_start3A_19] : memref<32x10240xi32, #tpu.memory_space<hbm>> -> memref<1x10240xi32, #tpu.memory_space<hbm>>
      %dma_start3A_21 = tpu.memref_squeeze %dma_start3A_20 : memref<1x10240xi32, #tpu.memory_space<hbm>> -> memref<10240xi32, #tpu.memory_space<hbm>>
      tpu.enqueue_dma source(%arg5 : memref<10240xi32, #tpu.memory_space<vmem>>) target(%dma_start3A_21 : memref<10240xi32, #tpu.memory_space<hbm>>) target_semaphore(%run_scoped3A : memref<!tpu.dma_semaphore, #tpu.memory_space<semaphore_mem>>)
      %dma_wait3A = arith.constant 0 : i32
      %dma_wait3A_22 = tpu.memref_slice %arg3[%add3A, %dma_wait3A] : memref<32x10240xi32, #tpu.memory_space<hbm>> -> memref<1x10240xi32, #tpu.memory_space<hbm>>
      %dma_wait3A_23 = tpu.memref_squeeze %dma_wait3A_22 : memref<1x10240xi32, #tpu.memory_space<hbm>> -> memref<10240xi32, #tpu.memory_space<hbm>>
      %dma_wait3A_24 = arith.constant 0 : i32
      %dma_wait3A_25 = tpu.memref_slice %arg3[%add3A, %dma_wait3A_24] : memref<32x10240xi32, #tpu.memory_space<hbm>> -> memref<1x10240xi32, #tpu.memory_space<hbm>>
      %dma_wait3A_26 = tpu.memref_squeeze %dma_wait3A_25 : memref<1x10240xi32, #tpu.memory_space<hbm>> -> memref<10240xi32, #tpu.memory_space<hbm>>
      tpu.wait_dma2 semaphore(%run_scoped3A : memref<!tpu.dma_semaphore, #tpu.memory_space<semaphore_mem>>) src(%arg5 : memref<10240xi32, #tpu.memory_space<vmem>>) dst(%dma_wait3A_26 : memref<10240xi32, #tpu.memory_space<hbm>>)
      tpu.yield
    }) : () -> ()
    return
  }
}

#map = affine_map<(d0, d1) -> (0)>
#map1 = affine_map<(d0, d1) -> (0, 0)>
module attributes {stable_mosaic.version = 14 : i64} {
  func.func @_topk_body(%arg0: i32, %arg1: i32, %arg2: memref<10240xf32, #tpu.memory_space<hbm>>, %arg3: memref<10240xi32, #tpu.memory_space<hbm>>, %arg4: memref<32x10240xf32, #tpu.memory_space<hbm>>, %arg5: memref<10256xf32, #tpu.memory_space<vmem>>, %arg6: memref<10256xi32, #tpu.memory_space<vmem>>, %arg7: memref<10256xf32, #tpu.memory_space<vmem>>) attributes {dimension_semantics = [#tpu.dimension_semantics<core_parallel>, #tpu.dimension_semantics<subcore_parallel>], iteration_bounds = array<i64: 2, 16>, scalar_prefetch = 0 : i64, scratch_operands = 3 : i64, tpu.core_type = #tpu.core_type<sc_vector_subcore>, window_params = [{transform_indices = #map}, {transform_indices = #map}, {transform_indices = #map1}]} {
    %mul3A = arith.constant 2 : i32
    %mul3A_0 = arith.muli %arg1, %mul3A : i32
    %add3A = arith.addi %mul3A_0, %arg0 : i32
    "tpu.region"() ({
      %run_scoped3A = tpu.sem_alloc : memref<!tpu.dma_semaphore, #tpu.memory_space<semaphore_mem>>
      %dma_start3A = arith.constant 0 : i32
      %dma_start3A_216 = tpu.memref_slice %arg5[%dma_start3A] : memref<10256xf32, #tpu.memory_space<vmem>> -> memref<10240xf32, #tpu.memory_space<vmem>>
      %dma_start3A_217 = arith.constant 0 : i32
      %dma_start3A_218 = tpu.memref_slice %arg5[%dma_start3A_217] : memref<10256xf32, #tpu.memory_space<vmem>> -> memref<10240xf32, #tpu.memory_space<vmem>>
      tpu.enqueue_dma source(%arg2 : memref<10240xf32, #tpu.memory_space<hbm>>) target(%dma_start3A_218 : memref<10240xf32, #tpu.memory_space<vmem>>) target_semaphore(%run_scoped3A : memref<!tpu.dma_semaphore, #tpu.memory_space<semaphore_mem>>)
      %dma_wait3A = arith.constant 0 : i32
      %dma_wait3A_219 = tpu.memref_slice %arg5[%dma_wait3A] : memref<10256xf32, #tpu.memory_space<vmem>> -> memref<10240xf32, #tpu.memory_space<vmem>>
      %dma_wait3A_220 = arith.constant 0 : i32
      %dma_wait3A_221 = tpu.memref_slice %arg5[%dma_wait3A_220] : memref<10256xf32, #tpu.memory_space<vmem>> -> memref<10240xf32, #tpu.memory_space<vmem>>
      tpu.wait_dma2 semaphore(%run_scoped3A : memref<!tpu.dma_semaphore, #tpu.memory_space<semaphore_mem>>) src(%arg2 : memref<10240xf32, #tpu.memory_space<hbm>>) dst(%dma_wait3A_221 : memref<10240xf32, #tpu.memory_space<vmem>>)
      tpu.yield
    }) : () -> ()
    "tpu.region"() ({
      %run_scoped3A = tpu.sem_alloc : memref<!tpu.dma_semaphore, #tpu.memory_space<semaphore_mem>>
      %dma_start3A = arith.constant 0 : i32
      %dma_start3A_216 = tpu.memref_slice %arg6[%dma_start3A] : memref<10256xi32, #tpu.memory_space<vmem>> -> memref<10240xi32, #tpu.memory_space<vmem>>
      %dma_start3A_217 = arith.constant 0 : i32
      %dma_start3A_218 = tpu.memref_slice %arg6[%dma_start3A_217] : memref<10256xi32, #tpu.memory_space<vmem>> -> memref<10240xi32, #tpu.memory_space<vmem>>
      tpu.enqueue_dma source(%arg3 : memref<10240xi32, #tpu.memory_space<hbm>>) target(%dma_start3A_218 : memref<10240xi32, #tpu.memory_space<vmem>>) target_semaphore(%run_scoped3A : memref<!tpu.dma_semaphore, #tpu.memory_space<semaphore_mem>>)
      %dma_wait3A = arith.constant 0 : i32
      %dma_wait3A_219 = tpu.memref_slice %arg6[%dma_wait3A] : memref<10256xi32, #tpu.memory_space<vmem>> -> memref<10240xi32, #tpu.memory_space<vmem>>
      %dma_wait3A_220 = arith.constant 0 : i32
      %dma_wait3A_221 = tpu.memref_slice %arg6[%dma_wait3A_220] : memref<10256xi32, #tpu.memory_space<vmem>> -> memref<10240xi32, #tpu.memory_space<vmem>>
      tpu.wait_dma2 semaphore(%run_scoped3A : memref<!tpu.dma_semaphore, #tpu.memory_space<semaphore_mem>>) src(%arg3 : memref<10240xi32, #tpu.memory_space<hbm>>) dst(%dma_wait3A_221 : memref<10240xi32, #tpu.memory_space<vmem>>)
      tpu.yield
    }) : () -> ()
    %broadcast_in_dim3A = arith.constant 0.000000e+00 : f32
    %broadcast_in_dim3A_1 = vector.broadcast %broadcast_in_dim3A : f32 to vector<16xf32>
    %scan3A = arith.constant 0 : i32
    %scan3A_2 = arith.constant 0 : i32
    %scan3A_3 = arith.constant 640 : i32
    %scan3A_4 = arith.addi %scan3A_2, %scan3A_3 : i32
    %scan3A_5 = arith.constant 1 : i32
    scf.for %scan3A_216 = %scan3A_2 to %scan3A_4 step %scan3A_5  : i32 {
      %mul3A_217 = arith.constant 16 : i32
      %mul3A_218 = arith.muli %scan3A_216, %mul3A_217 : i32
      %swap3A = arith.index_cast %mul3A_218 : i32 to index
      %swap3A_219 = tpu.vector_load %arg7[%swap3A] {strides = array<i32>} : memref<10256xf32, #tpu.memory_space<vmem>>, vector<16xf32>,
      tpu.vector_store %arg7[%swap3A], %broadcast_in_dim3A_1 {strides = array<i32>} : memref<10256xf32, #tpu.memory_space<vmem>>, vector<16xf32>,
    }
    %scan3A_6 = arith.constant 640 : i32
    %iota3A = tpu.iota {dimensions = array<i32: 0>} : vector<16xi32>
    %mul3A_7 = arith.constant 2 : i32
    %mul3A_8 = arith.muli %add3A, %mul3A_7 : i32
    %scan3A_9 = arith.constant 0 : i32
    %scan3A_10 = arith.constant 10240 : i32
    %scan3A_11 = arith.constant 0 : i32
    %scan3A_12 = arith.constant 14 : i32
    %scan3A_13 = arith.addi %scan3A_11, %scan3A_12 : i32
    %scan3A_14 = arith.constant 1 : i32
    %scan3A_15:2 = scf.for %scan3A_216 = %scan3A_11 to %scan3A_13 step %scan3A_14 iter_args(%scan3A_217 = %scan3A_9, %scan3A_218 = %scan3A_10) -> (i32, i32)  : i32 {
      %add3A_219 = arith.addi %scan3A_217, %scan3A_218 : i32
      %jit3A_220 = arith.constant 2 : i32
      %div3A_221 = arith.divsi %add3A_219, %jit3A_220 : i32
      %sign3A_222 = arith.constant 0 : i32
      %sign3A_223 = arith.cmpi sgt, %add3A_219, %sign3A_222 : i32
      %sign3A_224 = arith.extui %sign3A_223 : i1 to i32
      %sign3A_225 = arith.constant 0 : i32
      %sign3A_226 = arith.cmpi slt, %add3A_219, %sign3A_225 : i32
      %sign3A_227 = arith.extui %sign3A_226 : i1 to i32
      %sign3A_228 = arith.subi %sign3A_224, %sign3A_227 : i32
      %sign3A_229 = arith.constant 0 : i32
      %sign3A_230 = arith.cmpi sgt, %jit3A_220, %sign3A_229 : i32
      %sign3A_231 = arith.extui %sign3A_230 : i1 to i32
      %sign3A_232 = arith.constant 0 : i32
      %sign3A_233 = arith.cmpi slt, %jit3A_220, %sign3A_232 : i32
      %sign3A_234 = arith.extui %sign3A_233 : i1 to i32
      %sign3A_235 = arith.subi %sign3A_231, %sign3A_234 : i32
      %ne3A_236 = arith.cmpi ne, %sign3A_228, %sign3A_235 : i32
      %rem3A_237 = arith.remsi %add3A_219, %jit3A_220 : i32
      %ne3A_238 = arith.constant 0 : i32
      %ne3A_239 = arith.cmpi ne, %rem3A_237, %ne3A_238 : i32
      %and3A_240 = arith.andi %ne3A_236, %ne3A_239 : i1
      %sub3A_241 = arith.constant 1 : i32
      %sub3A_242 = arith.subi %div3A_221, %sub3A_241 : i32
      %select_n3A_243 = arith.select %and3A_240, %sub3A_242, %div3A_221 : i32
      %get3A = arith.index_cast %select_n3A_243 : i32 to index
      %get3A_244 = tpu.vector_load %arg6[%get3A] {strides = array<i32>} : memref<10256xi32, #tpu.memory_space<vmem>>, vector<16xi32>,
      %slice3A = vector.extract_strided_slice %get3A_244 {offsets = [0], sizes = [1], strides = [1]} : vector<16xi32> to vector<1xi32>
      %squeeze3A = vector.extract %slice3A[0] : i32 from vector<1xi32>
      %lt3A = arith.cmpi slt, %squeeze3A, %mul3A_8 : i32
      %add3A_245 = arith.constant 1 : i32
      %add3A_246 = arith.addi %select_n3A_243, %add3A_245 : i32
      %select_n3A_247 = arith.select %lt3A, %add3A_246, %scan3A_217 : i32
      %select_n3A_248 = arith.select %lt3A, %scan3A_218, %select_n3A_243 : i32
      scf.yield %select_n3A_247, %select_n3A_248 : i32, i32
    }
    %scan3A_16 = arith.constant 14 : i32
    %add3A_17 = arith.constant 1 : i32
    %add3A_18 = arith.addi %mul3A_8, %add3A_17 : i32
    %scan3A_19 = arith.constant 0 : i32
    %scan3A_20 = arith.constant 10240 : i32
    %scan3A_21 = arith.constant 0 : i32
    %scan3A_22 = arith.constant 14 : i32
    %scan3A_23 = arith.addi %scan3A_21, %scan3A_22 : i32
    %scan3A_24 = arith.constant 1 : i32
    %scan3A_25:2 = scf.for %scan3A_216 = %scan3A_21 to %scan3A_23 step %scan3A_24 iter_args(%scan3A_217 = %scan3A_19, %scan3A_218 = %scan3A_20) -> (i32, i32)  : i32 {
      %add3A_219 = arith.addi %scan3A_217, %scan3A_218 : i32
      %jit3A_220 = arith.constant 2 : i32
      %div3A_221 = arith.divsi %add3A_219, %jit3A_220 : i32
      %sign3A_222 = arith.constant 0 : i32
      %sign3A_223 = arith.cmpi sgt, %add3A_219, %sign3A_222 : i32
      %sign3A_224 = arith.extui %sign3A_223 : i1 to i32
      %sign3A_225 = arith.constant 0 : i32
      %sign3A_226 = arith.cmpi slt, %add3A_219, %sign3A_225 : i32
      %sign3A_227 = arith.extui %sign3A_226 : i1 to i32
      %sign3A_228 = arith.subi %sign3A_224, %sign3A_227 : i32
      %sign3A_229 = arith.constant 0 : i32
      %sign3A_230 = arith.cmpi sgt, %jit3A_220, %sign3A_229 : i32
      %sign3A_231 = arith.extui %sign3A_230 : i1 to i32
      %sign3A_232 = arith.constant 0 : i32
      %sign3A_233 = arith.cmpi slt, %jit3A_220, %sign3A_232 : i32
      %sign3A_234 = arith.extui %sign3A_233 : i1 to i32
      %sign3A_235 = arith.subi %sign3A_231, %sign3A_234 : i32
      %ne3A_236 = arith.cmpi ne, %sign3A_228, %sign3A_235 : i32
      %rem3A_237 = arith.remsi %add3A_219, %jit3A_220 : i32
      %ne3A_238 = arith.constant 0 : i32
      %ne3A_239 = arith.cmpi ne, %rem3A_237, %ne3A_238 : i32
      %and3A_240 = arith.andi %ne3A_236, %ne3A_239 : i1
      %sub3A_241 = arith.constant 1 : i32
      %sub3A_242 = arith.subi %div3A_221, %sub3A_241 : i32
      %select_n3A_243 = arith.select %and3A_240, %sub3A_242, %div3A_221 : i32
      %get3A = arith.index_cast %select_n3A_243 : i32 to index
      %get3A_244 = tpu.vector_load %arg6[%get3A] {strides = array<i32>} : memref<10256xi32, #tpu.memory_space<vmem>>, vector<16xi32>,
      %slice3A = vector.extract_strided_slice %get3A_244 {offsets = [0], sizes = [1], strides = [1]} : vector<16xi32> to vector<1xi32>
      %squeeze3A = vector.extract %slice3A[0] : i32 from vector<1xi32>
      %lt3A = arith.cmpi slt, %squeeze3A, %add3A_18 : i32
      %add3A_245 = arith.constant 1 : i32
      %add3A_246 = arith.addi %select_n3A_243, %add3A_245 : i32
      %select_n3A_247 = arith.select %lt3A, %add3A_246, %scan3A_217 : i32
      %select_n3A_248 = arith.select %lt3A, %scan3A_218, %select_n3A_243 : i32
      scf.yield %select_n3A_247, %select_n3A_248 : i32, i32
    }
    %scan3A_26 = arith.constant 14 : i32
    %sub3A = arith.subi %scan3A_25#0, %scan3A_15#0 : i32
    %mul3A_27 = arith.constant 9 : i32
    %mul3A_28 = arith.muli %mul3A_27, %sub3A : i32
    %add3A_29 = arith.constant 9 : i32
    %add3A_30 = arith.addi %mul3A_28, %add3A_29 : i32
    %jit3A = arith.constant 10 : i32
    %div3A = arith.divsi %add3A_30, %jit3A : i32
    %sign3A = arith.constant 0 : i32
    %sign3A_31 = arith.cmpi sgt, %add3A_30, %sign3A : i32
    %sign3A_32 = arith.extui %sign3A_31 : i1 to i32
    %sign3A_33 = arith.constant 0 : i32
    %sign3A_34 = arith.cmpi slt, %add3A_30, %sign3A_33 : i32
    %sign3A_35 = arith.extui %sign3A_34 : i1 to i32
    %sign3A_36 = arith.subi %sign3A_32, %sign3A_35 : i32
    %sign3A_37 = arith.constant 0 : i32
    %sign3A_38 = arith.cmpi sgt, %jit3A, %sign3A_37 : i32
    %sign3A_39 = arith.extui %sign3A_38 : i1 to i32
    %sign3A_40 = arith.constant 0 : i32
    %sign3A_41 = arith.cmpi slt, %jit3A, %sign3A_40 : i32
    %sign3A_42 = arith.extui %sign3A_41 : i1 to i32
    %sign3A_43 = arith.subi %sign3A_39, %sign3A_42 : i32
    %ne3A = arith.cmpi ne, %sign3A_36, %sign3A_43 : i32
    %rem3A = arith.remsi %add3A_30, %jit3A : i32
    %ne3A_44 = arith.constant 0 : i32
    %ne3A_45 = arith.cmpi ne, %rem3A, %ne3A_44 : i32
    %and3A = arith.andi %ne3A, %ne3A_45 : i1
    %sub3A_46 = arith.constant 1 : i32
    %sub3A_47 = arith.subi %div3A, %sub3A_46 : i32
    %select_n3A = arith.select %and3A, %sub3A_47, %div3A : i32
    %jit3A_48 = arith.constant 16 : i32
    %div3A_49 = arith.divsi %scan3A_15#0, %jit3A_48 : i32
    %sign3A_50 = arith.constant 0 : i32
    %sign3A_51 = arith.cmpi sgt, %scan3A_15#0, %sign3A_50 : i32
    %sign3A_52 = arith.extui %sign3A_51 : i1 to i32
    %sign3A_53 = arith.constant 0 : i32
    %sign3A_54 = arith.cmpi slt, %scan3A_15#0, %sign3A_53 : i32
    %sign3A_55 = arith.extui %sign3A_54 : i1 to i32
    %sign3A_56 = arith.subi %sign3A_52, %sign3A_55 : i32
    %sign3A_57 = arith.constant 0 : i32
    %sign3A_58 = arith.cmpi sgt, %jit3A_48, %sign3A_57 : i32
    %sign3A_59 = arith.extui %sign3A_58 : i1 to i32
    %sign3A_60 = arith.constant 0 : i32
    %sign3A_61 = arith.cmpi slt, %jit3A_48, %sign3A_60 : i32
    %sign3A_62 = arith.extui %sign3A_61 : i1 to i32
    %sign3A_63 = arith.subi %sign3A_59, %sign3A_62 : i32
    %ne3A_64 = arith.cmpi ne, %sign3A_56, %sign3A_63 : i32
    %rem3A_65 = arith.remsi %scan3A_15#0, %jit3A_48 : i32
    %ne3A_66 = arith.constant 0 : i32
    %ne3A_67 = arith.cmpi ne, %rem3A_65, %ne3A_66 : i32
    %and3A_68 = arith.andi %ne3A_64, %ne3A_67 : i1
    %sub3A_69 = arith.constant 1 : i32
    %sub3A_70 = arith.subi %div3A_49, %sub3A_69 : i32
    %select_n3A_71 = arith.select %and3A_68, %sub3A_70, %div3A_49 : i32
    %add3A_72 = arith.constant 15 : i32
    %add3A_73 = arith.addi %scan3A_25#0, %add3A_72 : i32
    %jit3A_74 = arith.constant 16 : i32
    %div3A_75 = arith.divsi %add3A_73, %jit3A_74 : i32
    %sign3A_76 = arith.constant 0 : i32
    %sign3A_77 = arith.cmpi sgt, %add3A_73, %sign3A_76 : i32
    %sign3A_78 = arith.extui %sign3A_77 : i1 to i32
    %sign3A_79 = arith.constant 0 : i32
    %sign3A_80 = arith.cmpi slt, %add3A_73, %sign3A_79 : i32
    %sign3A_81 = arith.extui %sign3A_80 : i1 to i32
    %sign3A_82 = arith.subi %sign3A_78, %sign3A_81 : i32
    %sign3A_83 = arith.constant 0 : i32
    %sign3A_84 = arith.cmpi sgt, %jit3A_74, %sign3A_83 : i32
    %sign3A_85 = arith.extui %sign3A_84 : i1 to i32
    %sign3A_86 = arith.constant 0 : i32
    %sign3A_87 = arith.cmpi slt, %jit3A_74, %sign3A_86 : i32
    %sign3A_88 = arith.extui %sign3A_87 : i1 to i32
    %sign3A_89 = arith.subi %sign3A_85, %sign3A_88 : i32
    %ne3A_90 = arith.cmpi ne, %sign3A_82, %sign3A_89 : i32
    %rem3A_91 = arith.remsi %add3A_73, %jit3A_74 : i32
    %ne3A_92 = arith.constant 0 : i32
    %ne3A_93 = arith.cmpi ne, %rem3A_91, %ne3A_92 : i32
    %and3A_94 = arith.andi %ne3A_90, %ne3A_93 : i1
    %sub3A_95 = arith.constant 1 : i32
    %sub3A_96 = arith.subi %div3A_75, %sub3A_95 : i32
    %select_n3A_97 = arith.select %and3A_94, %sub3A_96, %div3A_75 : i32
    %while3A = arith.constant 0 : i32
    %while3A_98 = arith.subi %select_n3A_97, %select_n3A_71 : i32
    %while3A_99 = arith.addi %select_n3A_71, %while3A_98 : i32
    %while3A_100 = arith.constant 1 : i32
    %while3A_101 = arith.divsi %while3A_98, %while3A_100 : i32
    %while3A_102 = arith.muli %while3A_101, %while3A_100 : i32
    %while3A_103 = arith.addi %select_n3A_71, %while3A_102 : i32
    %while3A_104 = arith.constant 1 : i32
    scf.for %while3A_216 = %select_n3A_71 to %while3A_103 step %while3A_104  : i32 {
      %mul3A_217 = arith.constant 16 : i32
      %mul3A_218 = arith.muli %while3A_216, %mul3A_217 : i32
      %add3A_219 = vector.broadcast %mul3A_218 : i32 to vector<16xi32>
      %add3A_220 = arith.addi %add3A_219, %iota3A : vector<16xi32>
      %get3A = arith.index_cast %mul3A_218 : i32 to index
      %get3A_221 = tpu.vector_load %arg5[%get3A] {strides = array<i32>} : memref<10256xf32, #tpu.memory_space<vmem>>, vector<16xf32>,
      %ge3A = vector.broadcast %scan3A_15#0 : i32 to vector<16xi32>
      %ge3A_222 = arith.cmpi sge, %add3A_220, %ge3A : vector<16xi32>
      %lt3A = vector.broadcast %scan3A_25#0 : i32 to vector<16xi32>
      %lt3A_223 = arith.cmpi slt, %add3A_220, %lt3A : vector<16xi32>
      %and3A_224 = arith.andi %ge3A_222, %lt3A_223 : vector<16xi1>
      %broadcast_in_dim3A_225 = arith.constant 0 : i32
      %broadcast_in_dim3A_226 = vector.broadcast %broadcast_in_dim3A_225 : i32 to vector<16xi32>
      %while3A_227 = arith.subi %scan3A_25#0, %scan3A_15#0 : i32
      %while3A_228 = arith.addi %scan3A_15#0, %while3A_227 : i32
      %while3A_229 = arith.constant 1 : i32
      %while3A_230 = arith.divsi %while3A_227, %while3A_229 : i32
      %while3A_231 = arith.muli %while3A_230, %while3A_229 : i32
      %while3A_232 = arith.addi %scan3A_15#0, %while3A_231 : i32
      %while3A_233 = arith.constant 1 : i32
      %while3A_234 = scf.for %while3A_248 = %scan3A_15#0 to %while3A_232 step %while3A_233 iter_args(%while3A_249 = %broadcast_in_dim3A_226) -> (vector<16xi32>)  : i32 {
        %get3A_250 = arith.index_cast %while3A_248 : i32 to index
        %get3A_251 = tpu.vector_load %arg5[%get3A_250] {strides = array<i32>} : memref<10256xf32, #tpu.memory_space<vmem>>, vector<16xf32>,
        %slice3A = vector.extract_strided_slice %get3A_251 {offsets = [0], sizes = [1], strides = [1]} : vector<16xf32> to vector<1xf32>
        %squeeze3A = vector.extract %slice3A[0] : f32 from vector<1xf32>
        %broadcast_in_dim3A_252 = vector.broadcast %squeeze3A : f32 to vector<16xf32>
        %gt3A = arith.cmpf ogt, %broadcast_in_dim3A_252, %get3A_221 : vector<16xf32>
        %eq3A = arith.cmpf oeq, %broadcast_in_dim3A_252, %get3A_221 : vector<16xf32>
        %lt3A_253 = vector.broadcast %while3A_248 : i32 to vector<16xi32>
        %lt3A_254 = arith.cmpi slt, %lt3A_253, %add3A_220 : vector<16xi32>
        %and3A_255 = arith.andi %eq3A, %lt3A_254 : vector<16xi1>
        %or3A = arith.ori %gt3A, %and3A_255 : vector<16xi1>
        %jit3A_256 = arith.constant 1 : i32
        %jit3A_257 = arith.constant 0 : i32
        %broadcast_in_dim3A_258 = vector.broadcast %jit3A_256 : i32 to vector<16xi32>
        %broadcast_in_dim3A_259 = vector.broadcast %jit3A_257 : i32 to vector<16xi32>
        %select_n3A_260 = arith.select %or3A, %broadcast_in_dim3A_258, %broadcast_in_dim3A_259 : vector<16xi1>, vector<16xi32>
        %add3A_261 = arith.addi %while3A_249, %select_n3A_260 : vector<16xi32>
        scf.yield %add3A_261 : vector<16xi32>
      }
      %while3A_235 = arith.constant 1 : i32
      %while3A_236 = scf.for %while3A_248 = %while3A_232 to %while3A_228 step %while3A_235 iter_args(%while3A_249 = %while3A_234) -> (vector<16xi32>)  : i32 {
        %get3A_250 = arith.index_cast %while3A_248 : i32 to index
        %get3A_251 = tpu.vector_load %arg5[%get3A_250] {strides = array<i32>} : memref<10256xf32, #tpu.memory_space<vmem>>, vector<16xf32>,
        %slice3A = vector.extract_strided_slice %get3A_251 {offsets = [0], sizes = [1], strides = [1]} : vector<16xf32> to vector<1xf32>
        %squeeze3A = vector.extract %slice3A[0] : f32 from vector<1xf32>
        %broadcast_in_dim3A_252 = vector.broadcast %squeeze3A : f32 to vector<16xf32>
        %gt3A = arith.cmpf ogt, %broadcast_in_dim3A_252, %get3A_221 : vector<16xf32>
        %eq3A = arith.cmpf oeq, %broadcast_in_dim3A_252, %get3A_221 : vector<16xf32>
        %lt3A_253 = vector.broadcast %while3A_248 : i32 to vector<16xi32>
        %lt3A_254 = arith.cmpi slt, %lt3A_253, %add3A_220 : vector<16xi32>
        %and3A_255 = arith.andi %eq3A, %lt3A_254 : vector<16xi1>
        %or3A = arith.ori %gt3A, %and3A_255 : vector<16xi1>
        %jit3A_256 = arith.constant 1 : i32
        %jit3A_257 = arith.constant 0 : i32
        %broadcast_in_dim3A_258 = vector.broadcast %jit3A_256 : i32 to vector<16xi32>
        %broadcast_in_dim3A_259 = vector.broadcast %jit3A_257 : i32 to vector<16xi32>
        %select_n3A_260 = arith.select %or3A, %broadcast_in_dim3A_258, %broadcast_in_dim3A_259 : vector<16xi1>, vector<16xi32>
        %add3A_261 = arith.addi %while3A_249, %select_n3A_260 : vector<16xi32>
        scf.yield %add3A_261 : vector<16xi32>
      }
      %lt3A_237 = vector.broadcast %select_n3A : i32 to vector<16xi32>
      %lt3A_238 = arith.cmpi slt, %while3A_236, %lt3A_237 : vector<16xi32>
      %jit3A_239 = arith.constant 1.000000e+00 : f32
      %jit3A_240 = arith.constant 0.000000e+00 : f32
      %broadcast_in_dim3A_241 = vector.broadcast %jit3A_239 : f32 to vector<16xf32>
      %broadcast_in_dim3A_242 = vector.broadcast %jit3A_240 : f32 to vector<16xf32>
      %select_n3A_243 = arith.select %lt3A_238, %broadcast_in_dim3A_241, %broadcast_in_dim3A_242 : vector<16xi1>, vector<16xf32>
      %add3A_244 = arith.constant 10240 : i32
      %add3A_245 = vector.broadcast %add3A_244 : i32 to vector<16xi32>
      %add3A_246 = arith.addi %add3A_245, %iota3A : vector<16xi32>
      %select_n3A_247 = arith.select %and3A_224, %add3A_220, %add3A_246 : vector<16xi1>, vector<16xi32>
      tpu.vector_store_idx %arg7[%select_n3A_247], %select_n3A_243 : memref<10256xf32, #tpu.memory_space<vmem>>[vector<16xi32>], vector<16xf32>,
    }
    %while3A_105 = arith.constant 1 : i32
    scf.for %while3A_216 = %while3A_103 to %while3A_99 step %while3A_105  : i32 {
      %mul3A_217 = arith.constant 16 : i32
      %mul3A_218 = arith.muli %while3A_216, %mul3A_217 : i32
      %add3A_219 = vector.broadcast %mul3A_218 : i32 to vector<16xi32>
      %add3A_220 = arith.addi %add3A_219, %iota3A : vector<16xi32>
      %get3A = arith.index_cast %mul3A_218 : i32 to index
      %get3A_221 = tpu.vector_load %arg5[%get3A] {strides = array<i32>} : memref<10256xf32, #tpu.memory_space<vmem>>, vector<16xf32>,
      %ge3A = vector.broadcast %scan3A_15#0 : i32 to vector<16xi32>
      %ge3A_222 = arith.cmpi sge, %add3A_220, %ge3A : vector<16xi32>
      %lt3A = vector.broadcast %scan3A_25#0 : i32 to vector<16xi32>
      %lt3A_223 = arith.cmpi slt, %add3A_220, %lt3A : vector<16xi32>
      %and3A_224 = arith.andi %ge3A_222, %lt3A_223 : vector<16xi1>
      %broadcast_in_dim3A_225 = arith.constant 0 : i32
      %broadcast_in_dim3A_226 = vector.broadcast %broadcast_in_dim3A_225 : i32 to vector<16xi32>
      %while3A_227 = arith.subi %scan3A_25#0, %scan3A_15#0 : i32
      %while3A_228 = arith.addi %scan3A_15#0, %while3A_227 : i32
      %while3A_229 = arith.constant 1 : i32
      %while3A_230 = arith.divsi %while3A_227, %while3A_229 : i32
      %while3A_231 = arith.muli %while3A_230, %while3A_229 : i32
      %while3A_232 = arith.addi %scan3A_15#0, %while3A_231 : i32
      %while3A_233 = arith.constant 1 : i32
      %while3A_234 = scf.for %while3A_248 = %scan3A_15#0 to %while3A_232 step %while3A_233 iter_args(%while3A_249 = %broadcast_in_dim3A_226) -> (vector<16xi32>)  : i32 {
        %get3A_250 = arith.index_cast %while3A_248 : i32 to index
        %get3A_251 = tpu.vector_load %arg5[%get3A_250] {strides = array<i32>} : memref<10256xf32, #tpu.memory_space<vmem>>, vector<16xf32>,
        %slice3A = vector.extract_strided_slice %get3A_251 {offsets = [0], sizes = [1], strides = [1]} : vector<16xf32> to vector<1xf32>
        %squeeze3A = vector.extract %slice3A[0] : f32 from vector<1xf32>
        %broadcast_in_dim3A_252 = vector.broadcast %squeeze3A : f32 to vector<16xf32>
        %gt3A = arith.cmpf ogt, %broadcast_in_dim3A_252, %get3A_221 : vector<16xf32>
        %eq3A = arith.cmpf oeq, %broadcast_in_dim3A_252, %get3A_221 : vector<16xf32>
        %lt3A_253 = vector.broadcast %while3A_248 : i32 to vector<16xi32>
        %lt3A_254 = arith.cmpi slt, %lt3A_253, %add3A_220 : vector<16xi32>
        %and3A_255 = arith.andi %eq3A, %lt3A_254 : vector<16xi1>
        %or3A = arith.ori %gt3A, %and3A_255 : vector<16xi1>
        %jit3A_256 = arith.constant 1 : i32
        %jit3A_257 = arith.constant 0 : i32
        %broadcast_in_dim3A_258 = vector.broadcast %jit3A_256 : i32 to vector<16xi32>
        %broadcast_in_dim3A_259 = vector.broadcast %jit3A_257 : i32 to vector<16xi32>
        %select_n3A_260 = arith.select %or3A, %broadcast_in_dim3A_258, %broadcast_in_dim3A_259 : vector<16xi1>, vector<16xi32>
        %add3A_261 = arith.addi %while3A_249, %select_n3A_260 : vector<16xi32>
        scf.yield %add3A_261 : vector<16xi32>
      }
      %while3A_235 = arith.constant 1 : i32
      %while3A_236 = scf.for %while3A_248 = %while3A_232 to %while3A_228 step %while3A_235 iter_args(%while3A_249 = %while3A_234) -> (vector<16xi32>)  : i32 {
        %get3A_250 = arith.index_cast %while3A_248 : i32 to index
        %get3A_251 = tpu.vector_load %arg5[%get3A_250] {strides = array<i32>} : memref<10256xf32, #tpu.memory_space<vmem>>, vector<16xf32>,
        %slice3A = vector.extract_strided_slice %get3A_251 {offsets = [0], sizes = [1], strides = [1]} : vector<16xf32> to vector<1xf32>
        %squeeze3A = vector.extract %slice3A[0] : f32 from vector<1xf32>
        %broadcast_in_dim3A_252 = vector.broadcast %squeeze3A : f32 to vector<16xf32>
        %gt3A = arith.cmpf ogt, %broadcast_in_dim3A_252, %get3A_221 : vector<16xf32>
        %eq3A = arith.cmpf oeq, %broadcast_in_dim3A_252, %get3A_221 : vector<16xf32>
        %lt3A_253 = vector.broadcast %while3A_248 : i32 to vector<16xi32>
        %lt3A_254 = arith.cmpi slt, %lt3A_253, %add3A_220 : vector<16xi32>
        %and3A_255 = arith.andi %eq3A, %lt3A_254 : vector<16xi1>
        %or3A = arith.ori %gt3A, %and3A_255 : vector<16xi1>
        %jit3A_256 = arith.constant 1 : i32
        %jit3A_257 = arith.constant 0 : i32
        %broadcast_in_dim3A_258 = vector.broadcast %jit3A_256 : i32 to vector<16xi32>
        %broadcast_in_dim3A_259 = vector.broadcast %jit3A_257 : i32 to vector<16xi32>
        %select_n3A_260 = arith.select %or3A, %broadcast_in_dim3A_258, %broadcast_in_dim3A_259 : vector<16xi1>, vector<16xi32>
        %add3A_261 = arith.addi %while3A_249, %select_n3A_260 : vector<16xi32>
        scf.yield %add3A_261 : vector<16xi32>
      }
      %lt3A_237 = vector.broadcast %select_n3A : i32 to vector<16xi32>
      %lt3A_238 = arith.cmpi slt, %while3A_236, %lt3A_237 : vector<16xi32>
      %jit3A_239 = arith.constant 1.000000e+00 : f32
      %jit3A_240 = arith.constant 0.000000e+00 : f32
      %broadcast_in_dim3A_241 = vector.broadcast %jit3A_239 : f32 to vector<16xf32>
      %broadcast_in_dim3A_242 = vector.broadcast %jit3A_240 : f32 to vector<16xf32>
      %select_n3A_243 = arith.select %lt3A_238, %broadcast_in_dim3A_241, %broadcast_in_dim3A_242 : vector<16xi1>, vector<16xf32>
      %add3A_244 = arith.constant 10240 : i32
      %add3A_245 = vector.broadcast %add3A_244 : i32 to vector<16xi32>
      %add3A_246 = arith.addi %add3A_245, %iota3A : vector<16xi32>
      %select_n3A_247 = arith.select %and3A_224, %add3A_220, %add3A_246 : vector<16xi1>, vector<16xi32>
      tpu.vector_store_idx %arg7[%select_n3A_247], %select_n3A_243 : memref<10256xf32, #tpu.memory_space<vmem>>[vector<16xi32>], vector<16xf32>,
    }
    %mul3A_106 = arith.constant 2 : i32
    %mul3A_107 = arith.muli %add3A, %mul3A_106 : i32
    %add3A_108 = arith.constant 1 : i32
    %add3A_109 = arith.addi %mul3A_107, %add3A_108 : i32
    %scan3A_110 = arith.constant 0 : i32
    %scan3A_111 = arith.constant 10240 : i32
    %scan3A_112 = arith.constant 0 : i32
    %scan3A_113 = arith.constant 14 : i32
    %scan3A_114 = arith.addi %scan3A_112, %scan3A_113 : i32
    %scan3A_115 = arith.constant 1 : i32
    %scan3A_116:2 = scf.for %scan3A_216 = %scan3A_112 to %scan3A_114 step %scan3A_115 iter_args(%scan3A_217 = %scan3A_110, %scan3A_218 = %scan3A_111) -> (i32, i32)  : i32 {
      %add3A_219 = arith.addi %scan3A_217, %scan3A_218 : i32
      %jit3A_220 = arith.constant 2 : i32
      %div3A_221 = arith.divsi %add3A_219, %jit3A_220 : i32
      %sign3A_222 = arith.constant 0 : i32
      %sign3A_223 = arith.cmpi sgt, %add3A_219, %sign3A_222 : i32
      %sign3A_224 = arith.extui %sign3A_223 : i1 to i32
      %sign3A_225 = arith.constant 0 : i32
      %sign3A_226 = arith.cmpi slt, %add3A_219, %sign3A_225 : i32
      %sign3A_227 = arith.extui %sign3A_226 : i1 to i32
      %sign3A_228 = arith.subi %sign3A_224, %sign3A_227 : i32
      %sign3A_229 = arith.constant 0 : i32
      %sign3A_230 = arith.cmpi sgt, %jit3A_220, %sign3A_229 : i32
      %sign3A_231 = arith.extui %sign3A_230 : i1 to i32
      %sign3A_232 = arith.constant 0 : i32
      %sign3A_233 = arith.cmpi slt, %jit3A_220, %sign3A_232 : i32
      %sign3A_234 = arith.extui %sign3A_233 : i1 to i32
      %sign3A_235 = arith.subi %sign3A_231, %sign3A_234 : i32
      %ne3A_236 = arith.cmpi ne, %sign3A_228, %sign3A_235 : i32
      %rem3A_237 = arith.remsi %add3A_219, %jit3A_220 : i32
      %ne3A_238 = arith.constant 0 : i32
      %ne3A_239 = arith.cmpi ne, %rem3A_237, %ne3A_238 : i32
      %and3A_240 = arith.andi %ne3A_236, %ne3A_239 : i1
      %sub3A_241 = arith.constant 1 : i32
      %sub3A_242 = arith.subi %div3A_221, %sub3A_241 : i32
      %select_n3A_243 = arith.select %and3A_240, %sub3A_242, %div3A_221 : i32
      %get3A = arith.index_cast %select_n3A_243 : i32 to index
      %get3A_244 = tpu.vector_load %arg6[%get3A] {strides = array<i32>} : memref<10256xi32, #tpu.memory_space<vmem>>, vector<16xi32>,
      %slice3A = vector.extract_strided_slice %get3A_244 {offsets = [0], sizes = [1], strides = [1]} : vector<16xi32> to vector<1xi32>
      %squeeze3A = vector.extract %slice3A[0] : i32 from vector<1xi32>
      %lt3A = arith.cmpi slt, %squeeze3A, %add3A_109 : i32
      %add3A_245 = arith.constant 1 : i32
      %add3A_246 = arith.addi %select_n3A_243, %add3A_245 : i32
      %select_n3A_247 = arith.select %lt3A, %add3A_246, %scan3A_217 : i32
      %select_n3A_248 = arith.select %lt3A, %scan3A_218, %select_n3A_243 : i32
      scf.yield %select_n3A_247, %select_n3A_248 : i32, i32
    }
    %scan3A_117 = arith.constant 14 : i32
    %add3A_118 = arith.constant 1 : i32
    %add3A_119 = arith.addi %add3A_109, %add3A_118 : i32
    %scan3A_120 = arith.constant 0 : i32
    %scan3A_121 = arith.constant 10240 : i32
    %scan3A_122 = arith.constant 0 : i32
    %scan3A_123 = arith.constant 14 : i32
    %scan3A_124 = arith.addi %scan3A_122, %scan3A_123 : i32
    %scan3A_125 = arith.constant 1 : i32
    %scan3A_126:2 = scf.for %scan3A_216 = %scan3A_122 to %scan3A_124 step %scan3A_125 iter_args(%scan3A_217 = %scan3A_120, %scan3A_218 = %scan3A_121) -> (i32, i32)  : i32 {
      %add3A_219 = arith.addi %scan3A_217, %scan3A_218 : i32
      %jit3A_220 = arith.constant 2 : i32
      %div3A_221 = arith.divsi %add3A_219, %jit3A_220 : i32
      %sign3A_222 = arith.constant 0 : i32
      %sign3A_223 = arith.cmpi sgt, %add3A_219, %sign3A_222 : i32
      %sign3A_224 = arith.extui %sign3A_223 : i1 to i32
      %sign3A_225 = arith.constant 0 : i32
      %sign3A_226 = arith.cmpi slt, %add3A_219, %sign3A_225 : i32
      %sign3A_227 = arith.extui %sign3A_226 : i1 to i32
      %sign3A_228 = arith.subi %sign3A_224, %sign3A_227 : i32
      %sign3A_229 = arith.constant 0 : i32
      %sign3A_230 = arith.cmpi sgt, %jit3A_220, %sign3A_229 : i32
      %sign3A_231 = arith.extui %sign3A_230 : i1 to i32
      %sign3A_232 = arith.constant 0 : i32
      %sign3A_233 = arith.cmpi slt, %jit3A_220, %sign3A_232 : i32
      %sign3A_234 = arith.extui %sign3A_233 : i1 to i32
      %sign3A_235 = arith.subi %sign3A_231, %sign3A_234 : i32
      %ne3A_236 = arith.cmpi ne, %sign3A_228, %sign3A_235 : i32
      %rem3A_237 = arith.remsi %add3A_219, %jit3A_220 : i32
      %ne3A_238 = arith.constant 0 : i32
      %ne3A_239 = arith.cmpi ne, %rem3A_237, %ne3A_238 : i32
      %and3A_240 = arith.andi %ne3A_236, %ne3A_239 : i1
      %sub3A_241 = arith.constant 1 : i32
      %sub3A_242 = arith.subi %div3A_221, %sub3A_241 : i32
      %select_n3A_243 = arith.select %and3A_240, %sub3A_242, %div3A_221 : i32
      %get3A = arith.index_cast %select_n3A_243 : i32 to index
      %get3A_244 = tpu.vector_load %arg6[%get3A] {strides = array<i32>} : memref<10256xi32, #tpu.memory_space<vmem>>, vector<16xi32>,
      %slice3A = vector.extract_strided_slice %get3A_244 {offsets = [0], sizes = [1], strides = [1]} : vector<16xi32> to vector<1xi32>
      %squeeze3A = vector.extract %slice3A[0] : i32 from vector<1xi32>
      %lt3A = arith.cmpi slt, %squeeze3A, %add3A_119 : i32
      %add3A_245 = arith.constant 1 : i32
      %add3A_246 = arith.addi %select_n3A_243, %add3A_245 : i32
      %select_n3A_247 = arith.select %lt3A, %add3A_246, %scan3A_217 : i32
      %select_n3A_248 = arith.select %lt3A, %scan3A_218, %select_n3A_243 : i32
      scf.yield %select_n3A_247, %select_n3A_248 : i32, i32
    }
    %scan3A_127 = arith.constant 14 : i32
    %sub3A_128 = arith.subi %scan3A_126#0, %scan3A_116#0 : i32
    %mul3A_129 = arith.constant 9 : i32
    %mul3A_130 = arith.muli %mul3A_129, %sub3A_128 : i32
    %add3A_131 = arith.constant 9 : i32
    %add3A_132 = arith.addi %mul3A_130, %add3A_131 : i32
    %jit3A_133 = arith.constant 10 : i32
    %div3A_134 = arith.divsi %add3A_132, %jit3A_133 : i32
    %sign3A_135 = arith.constant 0 : i32
    %sign3A_136 = arith.cmpi sgt, %add3A_132, %sign3A_135 : i32
    %sign3A_137 = arith.extui %sign3A_136 : i1 to i32
    %sign3A_138 = arith.constant 0 : i32
    %sign3A_139 = arith.cmpi slt, %add3A_132, %sign3A_138 : i32
    %sign3A_140 = arith.extui %sign3A_139 : i1 to i32
    %sign3A_141 = arith.subi %sign3A_137, %sign3A_140 : i32
    %sign3A_142 = arith.constant 0 : i32
    %sign3A_143 = arith.cmpi sgt, %jit3A_133, %sign3A_142 : i32
    %sign3A_144 = arith.extui %sign3A_143 : i1 to i32
    %sign3A_145 = arith.constant 0 : i32
    %sign3A_146 = arith.cmpi slt, %jit3A_133, %sign3A_145 : i32
    %sign3A_147 = arith.extui %sign3A_146 : i1 to i32
    %sign3A_148 = arith.subi %sign3A_144, %sign3A_147 : i32
    %ne3A_149 = arith.cmpi ne, %sign3A_141, %sign3A_148 : i32
    %rem3A_150 = arith.remsi %add3A_132, %jit3A_133 : i32
    %ne3A_151 = arith.constant 0 : i32
    %ne3A_152 = arith.cmpi ne, %rem3A_150, %ne3A_151 : i32
    %and3A_153 = arith.andi %ne3A_149, %ne3A_152 : i1
    %sub3A_154 = arith.constant 1 : i32
    %sub3A_155 = arith.subi %div3A_134, %sub3A_154 : i32
    %select_n3A_156 = arith.select %and3A_153, %sub3A_155, %div3A_134 : i32
    %jit3A_157 = arith.constant 16 : i32
    %div3A_158 = arith.divsi %scan3A_116#0, %jit3A_157 : i32
    %sign3A_159 = arith.constant 0 : i32
    %sign3A_160 = arith.cmpi sgt, %scan3A_116#0, %sign3A_159 : i32
    %sign3A_161 = arith.extui %sign3A_160 : i1 to i32
    %sign3A_162 = arith.constant 0 : i32
    %sign3A_163 = arith.cmpi slt, %scan3A_116#0, %sign3A_162 : i32
    %sign3A_164 = arith.extui %sign3A_163 : i1 to i32
    %sign3A_165 = arith.subi %sign3A_161, %sign3A_164 : i32
    %sign3A_166 = arith.constant 0 : i32
    %sign3A_167 = arith.cmpi sgt, %jit3A_157, %sign3A_166 : i32
    %sign3A_168 = arith.extui %sign3A_167 : i1 to i32
    %sign3A_169 = arith.constant 0 : i32
    %sign3A_170 = arith.cmpi slt, %jit3A_157, %sign3A_169 : i32
    %sign3A_171 = arith.extui %sign3A_170 : i1 to i32
    %sign3A_172 = arith.subi %sign3A_168, %sign3A_171 : i32
    %ne3A_173 = arith.cmpi ne, %sign3A_165, %sign3A_172 : i32
    %rem3A_174 = arith.remsi %scan3A_116#0, %jit3A_157 : i32
    %ne3A_175 = arith.constant 0 : i32
    %ne3A_176 = arith.cmpi ne, %rem3A_174, %ne3A_175 : i32
    %and3A_177 = arith.andi %ne3A_173, %ne3A_176 : i1
    %sub3A_178 = arith.constant 1 : i32
    %sub3A_179 = arith.subi %div3A_158, %sub3A_178 : i32
    %select_n3A_180 = arith.select %and3A_177, %sub3A_179, %div3A_158 : i32
    %add3A_181 = arith.constant 15 : i32
    %add3A_182 = arith.addi %scan3A_126#0, %add3A_181 : i32
    %jit3A_183 = arith.constant 16 : i32
    %div3A_184 = arith.divsi %add3A_182, %jit3A_183 : i32
    %sign3A_185 = arith.constant 0 : i32
    %sign3A_186 = arith.cmpi sgt, %add3A_182, %sign3A_185 : i32
    %sign3A_187 = arith.extui %sign3A_186 : i1 to i32
    %sign3A_188 = arith.constant 0 : i32
    %sign3A_189 = arith.cmpi slt, %add3A_182, %sign3A_188 : i32
    %sign3A_190 = arith.extui %sign3A_189 : i1 to i32
    %sign3A_191 = arith.subi %sign3A_187, %sign3A_190 : i32
    %sign3A_192 = arith.constant 0 : i32
    %sign3A_193 = arith.cmpi sgt, %jit3A_183, %sign3A_192 : i32
    %sign3A_194 = arith.extui %sign3A_193 : i1 to i32
    %sign3A_195 = arith.constant 0 : i32
    %sign3A_196 = arith.cmpi slt, %jit3A_183, %sign3A_195 : i32
    %sign3A_197 = arith.extui %sign3A_196 : i1 to i32
    %sign3A_198 = arith.subi %sign3A_194, %sign3A_197 : i32
    %ne3A_199 = arith.cmpi ne, %sign3A_191, %sign3A_198 : i32
    %rem3A_200 = arith.remsi %add3A_182, %jit3A_183 : i32
    %ne3A_201 = arith.constant 0 : i32
    %ne3A_202 = arith.cmpi ne, %rem3A_200, %ne3A_201 : i32
    %and3A_203 = arith.andi %ne3A_199, %ne3A_202 : i1
    %sub3A_204 = arith.constant 1 : i32
    %sub3A_205 = arith.subi %div3A_184, %sub3A_204 : i32
    %select_n3A_206 = arith.select %and3A_203, %sub3A_205, %div3A_184 : i32
    %while3A_207 = arith.constant 0 : i32
    %while3A_208 = arith.subi %select_n3A_206, %select_n3A_180 : i32
    %while3A_209 = arith.addi %select_n3A_180, %while3A_208 : i32
    %while3A_210 = arith.constant 1 : i32
    %while3A_211 = arith.divsi %while3A_208, %while3A_210 : i32
    %while3A_212 = arith.muli %while3A_211, %while3A_210 : i32
    %while3A_213 = arith.addi %select_n3A_180, %while3A_212 : i32
    %while3A_214 = arith.constant 1 : i32
    scf.for %while3A_216 = %select_n3A_180 to %while3A_213 step %while3A_214  : i32 {
      %mul3A_217 = arith.constant 16 : i32
      %mul3A_218 = arith.muli %while3A_216, %mul3A_217 : i32
      %add3A_219 = vector.broadcast %mul3A_218 : i32 to vector<16xi32>
      %add3A_220 = arith.addi %add3A_219, %iota3A : vector<16xi32>
      %get3A = arith.index_cast %mul3A_218 : i32 to index
      %get3A_221 = tpu.vector_load %arg5[%get3A] {strides = array<i32>} : memref<10256xf32, #tpu.memory_space<vmem>>, vector<16xf32>,
      %ge3A = vector.broadcast %scan3A_116#0 : i32 to vector<16xi32>
      %ge3A_222 = arith.cmpi sge, %add3A_220, %ge3A : vector<16xi32>
      %lt3A = vector.broadcast %scan3A_126#0 : i32 to vector<16xi32>
      %lt3A_223 = arith.cmpi slt, %add3A_220, %lt3A : vector<16xi32>
      %and3A_224 = arith.andi %ge3A_222, %lt3A_223 : vector<16xi1>
      %broadcast_in_dim3A_225 = arith.constant 0 : i32
      %broadcast_in_dim3A_226 = vector.broadcast %broadcast_in_dim3A_225 : i32 to vector<16xi32>
      %while3A_227 = arith.subi %scan3A_126#0, %scan3A_116#0 : i32
      %while3A_228 = arith.addi %scan3A_116#0, %while3A_227 : i32
      %while3A_229 = arith.constant 1 : i32
      %while3A_230 = arith.divsi %while3A_227, %while3A_229 : i32
      %while3A_231 = arith.muli %while3A_230, %while3A_229 : i32
      %while3A_232 = arith.addi %scan3A_116#0, %while3A_231 : i32
      %while3A_233 = arith.constant 1 : i32
      %while3A_234 = scf.for %while3A_248 = %scan3A_116#0 to %while3A_232 step %while3A_233 iter_args(%while3A_249 = %broadcast_in_dim3A_226) -> (vector<16xi32>)  : i32 {
        %get3A_250 = arith.index_cast %while3A_248 : i32 to index
        %get3A_251 = tpu.vector_load %arg5[%get3A_250] {strides = array<i32>} : memref<10256xf32, #tpu.memory_space<vmem>>, vector<16xf32>,
        %slice3A = vector.extract_strided_slice %get3A_251 {offsets = [0], sizes = [1], strides = [1]} : vector<16xf32> to vector<1xf32>
        %squeeze3A = vector.extract %slice3A[0] : f32 from vector<1xf32>
        %broadcast_in_dim3A_252 = vector.broadcast %squeeze3A : f32 to vector<16xf32>
        %gt3A = arith.cmpf ogt, %broadcast_in_dim3A_252, %get3A_221 : vector<16xf32>
        %eq3A = arith.cmpf oeq, %broadcast_in_dim3A_252, %get3A_221 : vector<16xf32>
        %lt3A_253 = vector.broadcast %while3A_248 : i32 to vector<16xi32>
        %lt3A_254 = arith.cmpi slt, %lt3A_253, %add3A_220 : vector<16xi32>
        %and3A_255 = arith.andi %eq3A, %lt3A_254 : vector<16xi1>
        %or3A = arith.ori %gt3A, %and3A_255 : vector<16xi1>
        %jit3A_256 = arith.constant 1 : i32
        %jit3A_257 = arith.constant 0 : i32
        %broadcast_in_dim3A_258 = vector.broadcast %jit3A_256 : i32 to vector<16xi32>
        %broadcast_in_dim3A_259 = vector.broadcast %jit3A_257 : i32 to vector<16xi32>
        %select_n3A_260 = arith.select %or3A, %broadcast_in_dim3A_258, %broadcast_in_dim3A_259 : vector<16xi1>, vector<16xi32>
        %add3A_261 = arith.addi %while3A_249, %select_n3A_260 : vector<16xi32>
        scf.yield %add3A_261 : vector<16xi32>
      }
      %while3A_235 = arith.constant 1 : i32
      %while3A_236 = scf.for %while3A_248 = %while3A_232 to %while3A_228 step %while3A_235 iter_args(%while3A_249 = %while3A_234) -> (vector<16xi32>)  : i32 {
        %get3A_250 = arith.index_cast %while3A_248 : i32 to index
        %get3A_251 = tpu.vector_load %arg5[%get3A_250] {strides = array<i32>} : memref<10256xf32, #tpu.memory_space<vmem>>, vector<16xf32>,
        %slice3A = vector.extract_strided_slice %get3A_251 {offsets = [0], sizes = [1], strides = [1]} : vector<16xf32> to vector<1xf32>
        %squeeze3A = vector.extract %slice3A[0] : f32 from vector<1xf32>
        %broadcast_in_dim3A_252 = vector.broadcast %squeeze3A : f32 to vector<16xf32>
        %gt3A = arith.cmpf ogt, %broadcast_in_dim3A_252, %get3A_221 : vector<16xf32>
        %eq3A = arith.cmpf oeq, %broadcast_in_dim3A_252, %get3A_221 : vector<16xf32>
        %lt3A_253 = vector.broadcast %while3A_248 : i32 to vector<16xi32>
        %lt3A_254 = arith.cmpi slt, %lt3A_253, %add3A_220 : vector<16xi32>
        %and3A_255 = arith.andi %eq3A, %lt3A_254 : vector<16xi1>
        %or3A = arith.ori %gt3A, %and3A_255 : vector<16xi1>
        %jit3A_256 = arith.constant 1 : i32
        %jit3A_257 = arith.constant 0 : i32
        %broadcast_in_dim3A_258 = vector.broadcast %jit3A_256 : i32 to vector<16xi32>
        %broadcast_in_dim3A_259 = vector.broadcast %jit3A_257 : i32 to vector<16xi32>
        %select_n3A_260 = arith.select %or3A, %broadcast_in_dim3A_258, %broadcast_in_dim3A_259 : vector<16xi1>, vector<16xi32>
        %add3A_261 = arith.addi %while3A_249, %select_n3A_260 : vector<16xi32>
        scf.yield %add3A_261 : vector<16xi32>
      }
      %lt3A_237 = vector.broadcast %select_n3A_156 : i32 to vector<16xi32>
      %lt3A_238 = arith.cmpi slt, %while3A_236, %lt3A_237 : vector<16xi32>
      %jit3A_239 = arith.constant 1.000000e+00 : f32
      %jit3A_240 = arith.constant 0.000000e+00 : f32
      %broadcast_in_dim3A_241 = vector.broadcast %jit3A_239 : f32 to vector<16xf32>
      %broadcast_in_dim3A_242 = vector.broadcast %jit3A_240 : f32 to vector<16xf32>
      %select_n3A_243 = arith.select %lt3A_238, %broadcast_in_dim3A_241, %broadcast_in_dim3A_242 : vector<16xi1>, vector<16xf32>
      %add3A_244 = arith.constant 10240 : i32
      %add3A_245 = vector.broadcast %add3A_244 : i32 to vector<16xi32>
      %add3A_246 = arith.addi %add3A_245, %iota3A : vector<16xi32>
      %select_n3A_247 = arith.select %and3A_224, %add3A_220, %add3A_246 : vector<16xi1>, vector<16xi32>
      tpu.vector_store_idx %arg7[%select_n3A_247], %select_n3A_243 : memref<10256xf32, #tpu.memory_space<vmem>>[vector<16xi32>], vector<16xf32>,
    }
    %while3A_215 = arith.constant 1 : i32
    scf.for %while3A_216 = %while3A_213 to %while3A_209 step %while3A_215  : i32 {
      %mul3A_217 = arith.constant 16 : i32
      %mul3A_218 = arith.muli %while3A_216, %mul3A_217 : i32
      %add3A_219 = vector.broadcast %mul3A_218 : i32 to vector<16xi32>
      %add3A_220 = arith.addi %add3A_219, %iota3A : vector<16xi32>
      %get3A = arith.index_cast %mul3A_218 : i32 to index
      %get3A_221 = tpu.vector_load %arg5[%get3A] {strides = array<i32>} : memref<10256xf32, #tpu.memory_space<vmem>>, vector<16xf32>,
      %ge3A = vector.broadcast %scan3A_116#0 : i32 to vector<16xi32>
      %ge3A_222 = arith.cmpi sge, %add3A_220, %ge3A : vector<16xi32>
      %lt3A = vector.broadcast %scan3A_126#0 : i32 to vector<16xi32>
      %lt3A_223 = arith.cmpi slt, %add3A_220, %lt3A : vector<16xi32>
      %and3A_224 = arith.andi %ge3A_222, %lt3A_223 : vector<16xi1>
      %broadcast_in_dim3A_225 = arith.constant 0 : i32
      %broadcast_in_dim3A_226 = vector.broadcast %broadcast_in_dim3A_225 : i32 to vector<16xi32>
      %while3A_227 = arith.subi %scan3A_126#0, %scan3A_116#0 : i32
      %while3A_228 = arith.addi %scan3A_116#0, %while3A_227 : i32
      %while3A_229 = arith.constant 1 : i32
      %while3A_230 = arith.divsi %while3A_227, %while3A_229 : i32
      %while3A_231 = arith.muli %while3A_230, %while3A_229 : i32
      %while3A_232 = arith.addi %scan3A_116#0, %while3A_231 : i32
      %while3A_233 = arith.constant 1 : i32
      %while3A_234 = scf.for %while3A_248 = %scan3A_116#0 to %while3A_232 step %while3A_233 iter_args(%while3A_249 = %broadcast_in_dim3A_226) -> (vector<16xi32>)  : i32 {
        %get3A_250 = arith.index_cast %while3A_248 : i32 to index
        %get3A_251 = tpu.vector_load %arg5[%get3A_250] {strides = array<i32>} : memref<10256xf32, #tpu.memory_space<vmem>>, vector<16xf32>,
        %slice3A = vector.extract_strided_slice %get3A_251 {offsets = [0], sizes = [1], strides = [1]} : vector<16xf32> to vector<1xf32>
        %squeeze3A = vector.extract %slice3A[0] : f32 from vector<1xf32>
        %broadcast_in_dim3A_252 = vector.broadcast %squeeze3A : f32 to vector<16xf32>
        %gt3A = arith.cmpf ogt, %broadcast_in_dim3A_252, %get3A_221 : vector<16xf32>
        %eq3A = arith.cmpf oeq, %broadcast_in_dim3A_252, %get3A_221 : vector<16xf32>
        %lt3A_253 = vector.broadcast %while3A_248 : i32 to vector<16xi32>
        %lt3A_254 = arith.cmpi slt, %lt3A_253, %add3A_220 : vector<16xi32>
        %and3A_255 = arith.andi %eq3A, %lt3A_254 : vector<16xi1>
        %or3A = arith.ori %gt3A, %and3A_255 : vector<16xi1>
        %jit3A_256 = arith.constant 1 : i32
        %jit3A_257 = arith.constant 0 : i32
        %broadcast_in_dim3A_258 = vector.broadcast %jit3A_256 : i32 to vector<16xi32>
        %broadcast_in_dim3A_259 = vector.broadcast %jit3A_257 : i32 to vector<16xi32>
        %select_n3A_260 = arith.select %or3A, %broadcast_in_dim3A_258, %broadcast_in_dim3A_259 : vector<16xi1>, vector<16xi32>
        %add3A_261 = arith.addi %while3A_249, %select_n3A_260 : vector<16xi32>
        scf.yield %add3A_261 : vector<16xi32>
      }
      %while3A_235 = arith.constant 1 : i32
      %while3A_236 = scf.for %while3A_248 = %while3A_232 to %while3A_228 step %while3A_235 iter_args(%while3A_249 = %while3A_234) -> (vector<16xi32>)  : i32 {
        %get3A_250 = arith.index_cast %while3A_248 : i32 to index
        %get3A_251 = tpu.vector_load %arg5[%get3A_250] {strides = array<i32>} : memref<10256xf32, #tpu.memory_space<vmem>>, vector<16xf32>,
        %slice3A = vector.extract_strided_slice %get3A_251 {offsets = [0], sizes = [1], strides = [1]} : vector<16xf32> to vector<1xf32>
        %squeeze3A = vector.extract %slice3A[0] : f32 from vector<1xf32>
        %broadcast_in_dim3A_252 = vector.broadcast %squeeze3A : f32 to vector<16xf32>
        %gt3A = arith.cmpf ogt, %broadcast_in_dim3A_252, %get3A_221 : vector<16xf32>
        %eq3A = arith.cmpf oeq, %broadcast_in_dim3A_252, %get3A_221 : vector<16xf32>
        %lt3A_253 = vector.broadcast %while3A_248 : i32 to vector<16xi32>
        %lt3A_254 = arith.cmpi slt, %lt3A_253, %add3A_220 : vector<16xi32>
        %and3A_255 = arith.andi %eq3A, %lt3A_254 : vector<16xi1>
        %or3A = arith.ori %gt3A, %and3A_255 : vector<16xi1>
        %jit3A_256 = arith.constant 1 : i32
        %jit3A_257 = arith.constant 0 : i32
        %broadcast_in_dim3A_258 = vector.broadcast %jit3A_256 : i32 to vector<16xi32>
        %broadcast_in_dim3A_259 = vector.broadcast %jit3A_257 : i32 to vector<16xi32>
        %select_n3A_260 = arith.select %or3A, %broadcast_in_dim3A_258, %broadcast_in_dim3A_259 : vector<16xi1>, vector<16xi32>
        %add3A_261 = arith.addi %while3A_249, %select_n3A_260 : vector<16xi32>
        scf.yield %add3A_261 : vector<16xi32>
      }
      %lt3A_237 = vector.broadcast %select_n3A_156 : i32 to vector<16xi32>
      %lt3A_238 = arith.cmpi slt, %while3A_236, %lt3A_237 : vector<16xi32>
      %jit3A_239 = arith.constant 1.000000e+00 : f32
      %jit3A_240 = arith.constant 0.000000e+00 : f32
      %broadcast_in_dim3A_241 = vector.broadcast %jit3A_239 : f32 to vector<16xf32>
      %broadcast_in_dim3A_242 = vector.broadcast %jit3A_240 : f32 to vector<16xf32>
      %select_n3A_243 = arith.select %lt3A_238, %broadcast_in_dim3A_241, %broadcast_in_dim3A_242 : vector<16xi1>, vector<16xf32>
      %add3A_244 = arith.constant 10240 : i32
      %add3A_245 = vector.broadcast %add3A_244 : i32 to vector<16xi32>
      %add3A_246 = arith.addi %add3A_245, %iota3A : vector<16xi32>
      %select_n3A_247 = arith.select %and3A_224, %add3A_220, %add3A_246 : vector<16xi1>, vector<16xi32>
      tpu.vector_store_idx %arg7[%select_n3A_247], %select_n3A_243 : memref<10256xf32, #tpu.memory_space<vmem>>[vector<16xi32>], vector<16xf32>,
    }
    "tpu.region"() ({
      %run_scoped3A = tpu.sem_alloc : memref<!tpu.dma_semaphore, #tpu.memory_space<semaphore_mem>>
      %dma_start3A = arith.constant 0 : i32
      %dma_start3A_216 = tpu.memref_slice %arg7[%dma_start3A] : memref<10256xf32, #tpu.memory_space<vmem>> -> memref<10240xf32, #tpu.memory_space<vmem>>
      %dma_start3A_217 = arith.constant 0 : i32
      %dma_start3A_218 = tpu.memref_slice %arg4[%add3A, %dma_start3A_217] : memref<32x10240xf32, #tpu.memory_space<hbm>> -> memref<1x10240xf32, #tpu.memory_space<hbm>>
      %dma_start3A_219 = tpu.memref_squeeze %dma_start3A_218 : memref<1x10240xf32, #tpu.memory_space<hbm>> -> memref<10240xf32, #tpu.memory_space<hbm>>
      %dma_start3A_220 = arith.constant 0 : i32
      %dma_start3A_221 = tpu.memref_slice %arg4[%add3A, %dma_start3A_220] : memref<32x10240xf32, #tpu.memory_space<hbm>> -> memref<1x10240xf32, #tpu.memory_space<hbm>>
      %dma_start3A_222 = tpu.memref_squeeze %dma_start3A_221 : memref<1x10240xf32, #tpu.memory_space<hbm>> -> memref<10240xf32, #tpu.memory_space<hbm>>
      %dma_start3A_223 = arith.constant 0 : i32
      %dma_start3A_224 = tpu.memref_slice %arg7[%dma_start3A_223] : memref<10256xf32, #tpu.memory_space<vmem>> -> memref<10240xf32, #tpu.memory_space<vmem>>
      tpu.enqueue_dma source(%dma_start3A_224 : memref<10240xf32, #tpu.memory_space<vmem>>) target(%dma_start3A_222 : memref<10240xf32, #tpu.memory_space<hbm>>) target_semaphore(%run_scoped3A : memref<!tpu.dma_semaphore, #tpu.memory_space<semaphore_mem>>)
      %dma_wait3A = arith.constant 0 : i32
      %dma_wait3A_225 = tpu.memref_slice %arg7[%dma_wait3A] : memref<10256xf32, #tpu.memory_space<vmem>> -> memref<10240xf32, #tpu.memory_space<vmem>>
      %dma_wait3A_226 = arith.constant 0 : i32
      %dma_wait3A_227 = tpu.memref_slice %arg4[%add3A, %dma_wait3A_226] : memref<32x10240xf32, #tpu.memory_space<hbm>> -> memref<1x10240xf32, #tpu.memory_space<hbm>>
      %dma_wait3A_228 = tpu.memref_squeeze %dma_wait3A_227 : memref<1x10240xf32, #tpu.memory_space<hbm>> -> memref<10240xf32, #tpu.memory_space<hbm>>
      %dma_wait3A_229 = arith.constant 0 : i32
      %dma_wait3A_230 = tpu.memref_slice %arg4[%add3A, %dma_wait3A_229] : memref<32x10240xf32, #tpu.memory_space<hbm>> -> memref<1x10240xf32, #tpu.memory_space<hbm>>
      %dma_wait3A_231 = tpu.memref_squeeze %dma_wait3A_230 : memref<1x10240xf32, #tpu.memory_space<hbm>> -> memref<10240xf32, #tpu.memory_space<hbm>>
      %dma_wait3A_232 = arith.constant 0 : i32
      %dma_wait3A_233 = tpu.memref_slice %arg7[%dma_wait3A_232] : memref<10256xf32, #tpu.memory_space<vmem>> -> memref<10240xf32, #tpu.memory_space<vmem>>
      tpu.wait_dma2 semaphore(%run_scoped3A : memref<!tpu.dma_semaphore, #tpu.memory_space<semaphore_mem>>) src(%dma_wait3A_233 : memref<10240xf32, #tpu.memory_space<vmem>>) dst(%dma_wait3A_231 : memref<10240xf32, #tpu.memory_space<hbm>>)
      tpu.yield
    }) : () -> ()
    return
  }
}

module attributes {stable_mosaic.version = 14 : i64} {
  func.func @_head_body(%arg0: i32, %arg1: memref<1024x512xf32, #tpu.memory_space<vmem>>, %arg2: memref<1024x512xf32, #tpu.memory_space<vmem>>, %arg3: memref<1024xf32, #tpu.memory_space<vmem>>, %arg4: memref<1024xf32, #tpu.memory_space<vmem>>, %arg5: memref<1024xf32, #tpu.memory_space<vmem>>, %arg6: memref<128x1024xf32, #tpu.memory_space<vmem>>, %arg7: memref<1xf32, #tpu.memory_space<smem>>, %arg8: memref<1024x1xf32, #tpu.memory_space<vmem>>, %arg9: memref<1024x1024xf32, #tpu.memory_space<vmem>>, %arg10: memref<1024x1024xf32, #tpu.memory_space<vmem>>) attributes {dimension_semantics = [#tpu.dimension_semantics<arbitrary>], iteration_bounds = array<i64: 10>, scalar_prefetch = 0 : i64, scratch_operands = 0 : i64, tpu.core_type = #tpu.core_type<tc>, window_params = [{transform_indices = @transform_0, window_bounds = array<i64: 1024, 512>}, {pipeline_mode = #tpu.pipeline_mode<synchronous>, transform_indices = @transform_1, window_bounds = array<i64: 1024, 512>}, {pipeline_mode = #tpu.pipeline_mode<synchronous>, transform_indices = @transform_2, window_bounds = array<i64: 1024>}, {pipeline_mode = #tpu.pipeline_mode<synchronous>, transform_indices = @transform_3, window_bounds = array<i64: 1024>}, {pipeline_mode = #tpu.pipeline_mode<synchronous>, transform_indices = @transform_4, window_bounds = array<i64: 1024>}, {pipeline_mode = #tpu.pipeline_mode<synchronous>, transform_indices = @transform_5, window_bounds = array<i64: 128, 1024>}, {transform_indices = @transform_6, window_bounds = array<i64: 1>}, {transform_indices = @transform_7, window_bounds = array<i64: 1024, 1>}, {transform_indices = @transform_8, window_bounds = array<i64: 1024, 1024>}, {transform_indices = @transform_9, window_bounds = array<i64: 1024, 1024>}]} {
    %get3A = arith.constant 0 : index
    %get3A_0 = arith.constant 0 : index
    %get3A_1 = vector.load %arg1[%get3A, %get3A_0] : memref<1024x512xf32, #tpu.memory_space<vmem>>, vector<1024x512xf32>
    %convert_element_type3A = arith.truncf %get3A_1 : vector<1024x512xf32> to vector<1024x512xbf16>
    %get3A_2 = arith.constant 0 : index
    %get3A_3 = arith.constant 0 : index
    %get3A_4 = vector.load %arg2[%get3A_2, %get3A_3] : memref<1024x512xf32, #tpu.memory_space<vmem>>, vector<1024x512xf32>
    %convert_element_type3A_5 = arith.truncf %get3A_4 : vector<1024x512xf32> to vector<1024x512xbf16>
    %dot_general3A = arith.constant dense<0.000000e+00> : vector<1024x1024xf32>
    %dot_general3A_6 = tpu.matmul %convert_element_type3A, %convert_element_type3A_5, %dot_general3A {dimension_numbers = #tpu.dot_dimension_numbers<[1], [1], [0], [0], [0, 0, 1, 0], [], []>, transpose_lhs_hint = false} : vector<1024x512xbf16>, vector<1024x512xbf16>, vector<1024x1024xf32> -> vector<1024x1024xf32>
    %get3A_7 = arith.constant 0 : index
    %get3A_8 = vector.load %arg3[%get3A_7] : memref<1024xf32, #tpu.memory_space<vmem>>, vector<1024xf32>
    %broadcast_in_dim3A = vector.shape_cast %get3A_8 : vector<1024xf32> to vector<1x1024xf32>
    %add3A = vector.broadcast %broadcast_in_dim3A : vector<1x1024xf32> to vector<1024x1024xf32>
    %add3A_9 = arith.addf %dot_general3A_6, %add3A : vector<1024x1024xf32>
    %swap3A = arith.constant 0 : index
    %swap3A_10 = arith.constant 0 : index
    %swap3A_11 = vector.load %arg9[%swap3A, %swap3A_10] : memref<1024x1024xf32, #tpu.memory_space<vmem>>, vector<1024x1024xf32>
    tpu.vector_store %arg9[%swap3A, %swap3A_10], %add3A_9 {strides = array<i32>} : memref<1024x1024xf32, #tpu.memory_space<vmem>>, vector<1024x1024xf32>,
    %slice3A = vector.extract_strided_slice %add3A_9 {offsets = [0, 0], sizes = [1024, 128], strides = [1, 1]} : vector<1024x1024xf32> to vector<1024x128xf32>
    %slice3A_12 = vector.extract_strided_slice %add3A_9 {offsets = [0, 128], sizes = [1024, 128], strides = [1, 1]} : vector<1024x1024xf32> to vector<1024x128xf32>
    %add3A_13 = arith.addf %slice3A, %slice3A_12 : vector<1024x128xf32>
    %slice3A_14 = vector.extract_strided_slice %add3A_9 {offsets = [0, 256], sizes = [1024, 128], strides = [1, 1]} : vector<1024x1024xf32> to vector<1024x128xf32>
    %add3A_15 = arith.addf %add3A_13, %slice3A_14 : vector<1024x128xf32>
    %slice3A_16 = vector.extract_strided_slice %add3A_9 {offsets = [0, 384], sizes = [1024, 128], strides = [1, 1]} : vector<1024x1024xf32> to vector<1024x128xf32>
    %add3A_17 = arith.addf %add3A_15, %slice3A_16 : vector<1024x128xf32>
    %slice3A_18 = vector.extract_strided_slice %add3A_9 {offsets = [0, 512], sizes = [1024, 128], strides = [1, 1]} : vector<1024x1024xf32> to vector<1024x128xf32>
    %add3A_19 = arith.addf %add3A_17, %slice3A_18 : vector<1024x128xf32>
    %slice3A_20 = vector.extract_strided_slice %add3A_9 {offsets = [0, 640], sizes = [1024, 128], strides = [1, 1]} : vector<1024x1024xf32> to vector<1024x128xf32>
    %add3A_21 = arith.addf %add3A_19, %slice3A_20 : vector<1024x128xf32>
    %slice3A_22 = vector.extract_strided_slice %add3A_9 {offsets = [0, 768], sizes = [1024, 128], strides = [1, 1]} : vector<1024x1024xf32> to vector<1024x128xf32>
    %add3A_23 = arith.addf %add3A_21, %slice3A_22 : vector<1024x128xf32>
    %slice3A_24 = vector.extract_strided_slice %add3A_9 {offsets = [0, 896], sizes = [1024, 128], strides = [1, 1]} : vector<1024x1024xf32> to vector<1024x128xf32>
    %add3A_25 = arith.addf %add3A_23, %slice3A_24 : vector<1024x128xf32>
    %slice3A_26 = vector.extract_strided_slice %add3A_25 {offsets = [0, 0], sizes = [1024, 8], strides = [1, 1]} : vector<1024x128xf32> to vector<1024x8xf32>
    %slice3A_27 = vector.extract_strided_slice %add3A_25 {offsets = [0, 8], sizes = [1024, 8], strides = [1, 1]} : vector<1024x128xf32> to vector<1024x8xf32>
    %add3A_28 = arith.addf %slice3A_26, %slice3A_27 : vector<1024x8xf32>
    %slice3A_29 = vector.extract_strided_slice %add3A_25 {offsets = [0, 16], sizes = [1024, 8], strides = [1, 1]} : vector<1024x128xf32> to vector<1024x8xf32>
    %add3A_30 = arith.addf %add3A_28, %slice3A_29 : vector<1024x8xf32>
    %slice3A_31 = vector.extract_strided_slice %add3A_25 {offsets = [0, 24], sizes = [1024, 8], strides = [1, 1]} : vector<1024x128xf32> to vector<1024x8xf32>
    %add3A_32 = arith.addf %add3A_30, %slice3A_31 : vector<1024x8xf32>
    %slice3A_33 = vector.extract_strided_slice %add3A_25 {offsets = [0, 32], sizes = [1024, 8], strides = [1, 1]} : vector<1024x128xf32> to vector<1024x8xf32>
    %add3A_34 = arith.addf %add3A_32, %slice3A_33 : vector<1024x8xf32>
    %slice3A_35 = vector.extract_strided_slice %add3A_25 {offsets = [0, 40], sizes = [1024, 8], strides = [1, 1]} : vector<1024x128xf32> to vector<1024x8xf32>
    %add3A_36 = arith.addf %add3A_34, %slice3A_35 : vector<1024x8xf32>
    %slice3A_37 = vector.extract_strided_slice %add3A_25 {offsets = [0, 48], sizes = [1024, 8], strides = [1, 1]} : vector<1024x128xf32> to vector<1024x8xf32>
    %add3A_38 = arith.addf %add3A_36, %slice3A_37 : vector<1024x8xf32>
    %slice3A_39 = vector.extract_strided_slice %add3A_25 {offsets = [0, 56], sizes = [1024, 8], strides = [1, 1]} : vector<1024x128xf32> to vector<1024x8xf32>
    %add3A_40 = arith.addf %add3A_38, %slice3A_39 : vector<1024x8xf32>
    %slice3A_41 = vector.extract_strided_slice %add3A_25 {offsets = [0, 64], sizes = [1024, 8], strides = [1, 1]} : vector<1024x128xf32> to vector<1024x8xf32>
    %add3A_42 = arith.addf %add3A_40, %slice3A_41 : vector<1024x8xf32>
    %slice3A_43 = vector.extract_strided_slice %add3A_25 {offsets = [0, 72], sizes = [1024, 8], strides = [1, 1]} : vector<1024x128xf32> to vector<1024x8xf32>
    %add3A_44 = arith.addf %add3A_42, %slice3A_43 : vector<1024x8xf32>
    %slice3A_45 = vector.extract_strided_slice %add3A_25 {offsets = [0, 80], sizes = [1024, 8], strides = [1, 1]} : vector<1024x128xf32> to vector<1024x8xf32>
    %add3A_46 = arith.addf %add3A_44, %slice3A_45 : vector<1024x8xf32>
    %slice3A_47 = vector.extract_strided_slice %add3A_25 {offsets = [0, 88], sizes = [1024, 8], strides = [1, 1]} : vector<1024x128xf32> to vector<1024x8xf32>
    %add3A_48 = arith.addf %add3A_46, %slice3A_47 : vector<1024x8xf32>
    %slice3A_49 = vector.extract_strided_slice %add3A_25 {offsets = [0, 96], sizes = [1024, 8], strides = [1, 1]} : vector<1024x128xf32> to vector<1024x8xf32>
    %add3A_50 = arith.addf %add3A_48, %slice3A_49 : vector<1024x8xf32>
    %slice3A_51 = vector.extract_strided_slice %add3A_25 {offsets = [0, 104], sizes = [1024, 8], strides = [1, 1]} : vector<1024x128xf32> to vector<1024x8xf32>
    %add3A_52 = arith.addf %add3A_50, %slice3A_51 : vector<1024x8xf32>
    %slice3A_53 = vector.extract_strided_slice %add3A_25 {offsets = [0, 112], sizes = [1024, 8], strides = [1, 1]} : vector<1024x128xf32> to vector<1024x8xf32>
    %add3A_54 = arith.addf %add3A_52, %slice3A_53 : vector<1024x8xf32>
    %slice3A_55 = vector.extract_strided_slice %add3A_25 {offsets = [0, 120], sizes = [1024, 8], strides = [1, 1]} : vector<1024x128xf32> to vector<1024x8xf32>
    %add3A_56 = arith.addf %add3A_54, %slice3A_55 : vector<1024x8xf32>
    %slice3A_57 = vector.extract_strided_slice %add3A_56 {offsets = [0, 0], sizes = [1024, 4], strides = [1, 1]} : vector<1024x8xf32> to vector<1024x4xf32>
    %slice3A_58 = vector.extract_strided_slice %add3A_56 {offsets = [0, 4], sizes = [1024, 4], strides = [1, 1]} : vector<1024x8xf32> to vector<1024x4xf32>
    %add3A_59 = arith.addf %slice3A_57, %slice3A_58 : vector<1024x4xf32>
    %slice3A_60 = vector.extract_strided_slice %add3A_59 {offsets = [0, 0], sizes = [1024, 2], strides = [1, 1]} : vector<1024x4xf32> to vector<1024x2xf32>
    %slice3A_61 = vector.extract_strided_slice %add3A_59 {offsets = [0, 2], sizes = [1024, 2], strides = [1, 1]} : vector<1024x4xf32> to vector<1024x2xf32>
    %add3A_62 = arith.addf %slice3A_60, %slice3A_61 : vector<1024x2xf32>
    %slice3A_63 = vector.extract_strided_slice %add3A_62 {offsets = [0, 0], sizes = [1024, 1], strides = [1, 1]} : vector<1024x2xf32> to vector<1024x1xf32>
    %slice3A_64 = vector.extract_strided_slice %add3A_62 {offsets = [0, 1], sizes = [1024, 1], strides = [1, 1]} : vector<1024x2xf32> to vector<1024x1xf32>
    %add3A_65 = arith.addf %slice3A_63, %slice3A_64 : vector<1024x1xf32>
    %mul3A = arith.constant 9.765625E-4 : f32
    %mul3A_66 = vector.broadcast %mul3A : f32 to vector<1024x1xf32>
    %mul3A_67 = arith.mulf %add3A_65, %mul3A_66 : vector<1024x1xf32>
    %sub3A = vector.broadcast %mul3A_67 : vector<1024x1xf32> to vector<1024x1024xf32>
    %sub3A_68 = arith.subf %add3A_9, %sub3A : vector<1024x1024xf32>
    %integer_pow3A = arith.mulf %sub3A_68, %sub3A_68 : vector<1024x1024xf32>
    %slice3A_69 = vector.extract_strided_slice %integer_pow3A {offsets = [0, 0], sizes = [1024, 128], strides = [1, 1]} : vector<1024x1024xf32> to vector<1024x128xf32>
    %slice3A_70 = vector.extract_strided_slice %integer_pow3A {offsets = [0, 128], sizes = [1024, 128], strides = [1, 1]} : vector<1024x1024xf32> to vector<1024x128xf32>
    %add3A_71 = arith.addf %slice3A_69, %slice3A_70 : vector<1024x128xf32>
    %slice3A_72 = vector.extract_strided_slice %integer_pow3A {offsets = [0, 256], sizes = [1024, 128], strides = [1, 1]} : vector<1024x1024xf32> to vector<1024x128xf32>
    %add3A_73 = arith.addf %add3A_71, %slice3A_72 : vector<1024x128xf32>
    %slice3A_74 = vector.extract_strided_slice %integer_pow3A {offsets = [0, 384], sizes = [1024, 128], strides = [1, 1]} : vector<1024x1024xf32> to vector<1024x128xf32>
    %add3A_75 = arith.addf %add3A_73, %slice3A_74 : vector<1024x128xf32>
    %slice3A_76 = vector.extract_strided_slice %integer_pow3A {offsets = [0, 512], sizes = [1024, 128], strides = [1, 1]} : vector<1024x1024xf32> to vector<1024x128xf32>
    %add3A_77 = arith.addf %add3A_75, %slice3A_76 : vector<1024x128xf32>
    %slice3A_78 = vector.extract_strided_slice %integer_pow3A {offsets = [0, 640], sizes = [1024, 128], strides = [1, 1]} : vector<1024x1024xf32> to vector<1024x128xf32>
    %add3A_79 = arith.addf %add3A_77, %slice3A_78 : vector<1024x128xf32>
    %slice3A_80 = vector.extract_strided_slice %integer_pow3A {offsets = [0, 768], sizes = [1024, 128], strides = [1, 1]} : vector<1024x1024xf32> to vector<1024x128xf32>
    %add3A_81 = arith.addf %add3A_79, %slice3A_80 : vector<1024x128xf32>
    %slice3A_82 = vector.extract_strided_slice %integer_pow3A {offsets = [0, 896], sizes = [1024, 128], strides = [1, 1]} : vector<1024x1024xf32> to vector<1024x128xf32>
    %add3A_83 = arith.addf %add3A_81, %slice3A_82 : vector<1024x128xf32>
    %slice3A_84 = vector.extract_strided_slice %add3A_83 {offsets = [0, 0], sizes = [1024, 8], strides = [1, 1]} : vector<1024x128xf32> to vector<1024x8xf32>
    %slice3A_85 = vector.extract_strided_slice %add3A_83 {offsets = [0, 8], sizes = [1024, 8], strides = [1, 1]} : vector<1024x128xf32> to vector<1024x8xf32>
    %add3A_86 = arith.addf %slice3A_84, %slice3A_85 : vector<1024x8xf32>
    %slice3A_87 = vector.extract_strided_slice %add3A_83 {offsets = [0, 16], sizes = [1024, 8], strides = [1, 1]} : vector<1024x128xf32> to vector<1024x8xf32>
    %add3A_88 = arith.addf %add3A_86, %slice3A_87 : vector<1024x8xf32>
    %slice3A_89 = vector.extract_strided_slice %add3A_83 {offsets = [0, 24], sizes = [1024, 8], strides = [1, 1]} : vector<1024x128xf32> to vector<1024x8xf32>
    %add3A_90 = arith.addf %add3A_88, %slice3A_89 : vector<1024x8xf32>
    %slice3A_91 = vector.extract_strided_slice %add3A_83 {offsets = [0, 32], sizes = [1024, 8], strides = [1, 1]} : vector<1024x128xf32> to vector<1024x8xf32>
    %add3A_92 = arith.addf %add3A_90, %slice3A_91 : vector<1024x8xf32>
    %slice3A_93 = vector.extract_strided_slice %add3A_83 {offsets = [0, 40], sizes = [1024, 8], strides = [1, 1]} : vector<1024x128xf32> to vector<1024x8xf32>
    %add3A_94 = arith.addf %add3A_92, %slice3A_93 : vector<1024x8xf32>
    %slice3A_95 = vector.extract_strided_slice %add3A_83 {offsets = [0, 48], sizes = [1024, 8], strides = [1, 1]} : vector<1024x128xf32> to vector<1024x8xf32>
    %add3A_96 = arith.addf %add3A_94, %slice3A_95 : vector<1024x8xf32>
    %slice3A_97 = vector.extract_strided_slice %add3A_83 {offsets = [0, 56], sizes = [1024, 8], strides = [1, 1]} : vector<1024x128xf32> to vector<1024x8xf32>
    %add3A_98 = arith.addf %add3A_96, %slice3A_97 : vector<1024x8xf32>
    %slice3A_99 = vector.extract_strided_slice %add3A_83 {offsets = [0, 64], sizes = [1024, 8], strides = [1, 1]} : vector<1024x128xf32> to vector<1024x8xf32>
    %add3A_100 = arith.addf %add3A_98, %slice3A_99 : vector<1024x8xf32>
    %slice3A_101 = vector.extract_strided_slice %add3A_83 {offsets = [0, 72], sizes = [1024, 8], strides = [1, 1]} : vector<1024x128xf32> to vector<1024x8xf32>
    %add3A_102 = arith.addf %add3A_100, %slice3A_101 : vector<1024x8xf32>
    %slice3A_103 = vector.extract_strided_slice %add3A_83 {offsets = [0, 80], sizes = [1024, 8], strides = [1, 1]} : vector<1024x128xf32> to vector<1024x8xf32>
    %add3A_104 = arith.addf %add3A_102, %slice3A_103 : vector<1024x8xf32>
    %slice3A_105 = vector.extract_strided_slice %add3A_83 {offsets = [0, 88], sizes = [1024, 8], strides = [1, 1]} : vector<1024x128xf32> to vector<1024x8xf32>
    %add3A_106 = arith.addf %add3A_104, %slice3A_105 : vector<1024x8xf32>
    %slice3A_107 = vector.extract_strided_slice %add3A_83 {offsets = [0, 96], sizes = [1024, 8], strides = [1, 1]} : vector<1024x128xf32> to vector<1024x8xf32>
    %add3A_108 = arith.addf %add3A_106, %slice3A_107 : vector<1024x8xf32>
    %slice3A_109 = vector.extract_strided_slice %add3A_83 {offsets = [0, 104], sizes = [1024, 8], strides = [1, 1]} : vector<1024x128xf32> to vector<1024x8xf32>
    %add3A_110 = arith.addf %add3A_108, %slice3A_109 : vector<1024x8xf32>
    %slice3A_111 = vector.extract_strided_slice %add3A_83 {offsets = [0, 112], sizes = [1024, 8], strides = [1, 1]} : vector<1024x128xf32> to vector<1024x8xf32>
    %add3A_112 = arith.addf %add3A_110, %slice3A_111 : vector<1024x8xf32>
    %slice3A_113 = vector.extract_strided_slice %add3A_83 {offsets = [0, 120], sizes = [1024, 8], strides = [1, 1]} : vector<1024x128xf32> to vector<1024x8xf32>
    %add3A_114 = arith.addf %add3A_112, %slice3A_113 : vector<1024x8xf32>
    %slice3A_115 = vector.extract_strided_slice %add3A_114 {offsets = [0, 0], sizes = [1024, 4], strides = [1, 1]} : vector<1024x8xf32> to vector<1024x4xf32>
    %slice3A_116 = vector.extract_strided_slice %add3A_114 {offsets = [0, 4], sizes = [1024, 4], strides = [1, 1]} : vector<1024x8xf32> to vector<1024x4xf32>
    %add3A_117 = arith.addf %slice3A_115, %slice3A_116 : vector<1024x4xf32>
    %slice3A_118 = vector.extract_strided_slice %add3A_117 {offsets = [0, 0], sizes = [1024, 2], strides = [1, 1]} : vector<1024x4xf32> to vector<1024x2xf32>
    %slice3A_119 = vector.extract_strided_slice %add3A_117 {offsets = [0, 2], sizes = [1024, 2], strides = [1, 1]} : vector<1024x4xf32> to vector<1024x2xf32>
    %add3A_120 = arith.addf %slice3A_118, %slice3A_119 : vector<1024x2xf32>
    %slice3A_121 = vector.extract_strided_slice %add3A_120 {offsets = [0, 0], sizes = [1024, 1], strides = [1, 1]} : vector<1024x2xf32> to vector<1024x1xf32>
    %slice3A_122 = vector.extract_strided_slice %add3A_120 {offsets = [0, 1], sizes = [1024, 1], strides = [1, 1]} : vector<1024x2xf32> to vector<1024x1xf32>
    %add3A_123 = arith.addf %slice3A_121, %slice3A_122 : vector<1024x1xf32>
    %mul3A_124 = arith.constant 9.765625E-4 : f32
    %mul3A_125 = vector.broadcast %mul3A_124 : f32 to vector<1024x1xf32>
    %mul3A_126 = arith.mulf %add3A_123, %mul3A_125 : vector<1024x1xf32>
    %sub3A_127 = vector.broadcast %mul3A_67 : vector<1024x1xf32> to vector<1024x1024xf32>
    %sub3A_128 = arith.subf %add3A_9, %sub3A_127 : vector<1024x1024xf32>
    %add3A_129 = arith.constant 9.99999974E-6 : f32
    %add3A_130 = vector.broadcast %add3A_129 : f32 to vector<1024x1xf32>
    %add3A_131 = arith.addf %mul3A_126, %add3A_130 : vector<1024x1xf32>
    %sqrt3A = math.sqrt %add3A_131 : vector<1024x1xf32>
    %div3A = vector.broadcast %sqrt3A : vector<1024x1xf32> to vector<1024x1024xf32>
    %div3A_132 = arith.divf %sub3A_128, %div3A : vector<1024x1024xf32>
    %get3A_133 = arith.constant 0 : index
    %get3A_134 = vector.load %arg4[%get3A_133] : memref<1024xf32, #tpu.memory_space<vmem>>, vector<1024xf32>
    %broadcast_in_dim3A_135 = vector.shape_cast %get3A_134 : vector<1024xf32> to vector<1x1024xf32>
    %mul3A_136 = vector.broadcast %broadcast_in_dim3A_135 : vector<1x1024xf32> to vector<1024x1024xf32>
    %mul3A_137 = arith.mulf %div3A_132, %mul3A_136 : vector<1024x1024xf32>
    %get3A_138 = arith.constant 0 : index
    %get3A_139 = vector.load %arg5[%get3A_138] : memref<1024xf32, #tpu.memory_space<vmem>>, vector<1024xf32>
    %broadcast_in_dim3A_140 = vector.shape_cast %get3A_139 : vector<1024xf32> to vector<1x1024xf32>
    %add3A_141 = vector.broadcast %broadcast_in_dim3A_140 : vector<1x1024xf32> to vector<1024x1024xf32>
    %add3A_142 = arith.addf %mul3A_137, %add3A_141 : vector<1024x1024xf32>
    %max3A = arith.constant 0.000000e+00 : f32
    %max3A_143 = vector.broadcast %max3A : f32 to vector<1024x1024xf32>
    %max3A_144 = arith.maximumf %add3A_142, %max3A_143 : vector<1024x1024xf32>
    %swap3A_145 = arith.constant 0 : index
    %swap3A_146 = arith.constant 0 : index
    %swap3A_147 = vector.load %arg10[%swap3A_145, %swap3A_146] : memref<1024x1024xf32, #tpu.memory_space<vmem>>, vector<1024x1024xf32>
    tpu.vector_store %arg10[%swap3A_145, %swap3A_146], %max3A_144 {strides = array<i32>} : memref<1024x1024xf32, #tpu.memory_space<vmem>>, vector<1024x1024xf32>,
    %convert_element_type3A_148 = arith.truncf %max3A_144 : vector<1024x1024xf32> to vector<1024x1024xbf16>
    %get3A_149 = arith.constant 0 : index
    %get3A_150 = arith.constant 0 : index
    %get3A_151 = vector.load %arg6[%get3A_149, %get3A_150] : memref<128x1024xf32, #tpu.memory_space<vmem>>, vector<128x1024xf32>
    %convert_element_type3A_152 = arith.truncf %get3A_151 : vector<128x1024xf32> to vector<128x1024xbf16>
    %dot_general3A_153 = arith.constant dense<0.000000e+00> : vector<1024x128xf32>
    %dot_general3A_154 = tpu.matmul %convert_element_type3A_148, %convert_element_type3A_152, %dot_general3A_153 {dimension_numbers = #tpu.dot_dimension_numbers<[1], [1], [0], [0], [0, 0, 1, 0], [], []>, transpose_lhs_hint = false} : vector<1024x1024xbf16>, vector<128x1024xbf16>, vector<1024x128xf32> -> vector<1024x128xf32>
    %slice3A_155 = vector.extract_strided_slice %dot_general3A_154 {offsets = [0, 0], sizes = [1024, 1], strides = [1, 1]} : vector<1024x128xf32> to vector<1024x1xf32>
    %get3A_156 = arith.constant 0 : index
    %get3A_157 = memref.load %arg7[%get3A_156] : memref<1xf32, #tpu.memory_space<smem>>
    %add3A_158 = vector.broadcast %get3A_157 : f32 to vector<1024x1xf32>
    %add3A_159 = arith.addf %slice3A_155, %add3A_158 : vector<1024x1xf32>
    %logistic3A = arith.negf %add3A_159 : vector<1024x1xf32>
    %logistic3A_160 = math.exp %logistic3A : vector<1024x1xf32>
    %logistic3A_161 = arith.constant 1.000000e+00 : f32
    %logistic3A_162 = vector.broadcast %logistic3A_161 : f32 to vector<1024x1xf32>
    %logistic3A_163 = arith.addf %logistic3A_162, %logistic3A_160 : vector<1024x1xf32>
    %logistic3A_164 = arith.divf %logistic3A_162, %logistic3A_163 : vector<1024x1xf32>
    %swap3A_165 = arith.constant 0 : index
    %swap3A_166 = arith.constant 0 : index
    %swap3A_167 = vector.load %arg8[%swap3A_165, %swap3A_166] : memref<1024x1xf32, #tpu.memory_space<vmem>>, vector<1024x1xf32>
    tpu.vector_store %arg8[%swap3A_165, %swap3A_166], %logistic3A_164 {strides = array<i32>} : memref<1024x1xf32, #tpu.memory_space<vmem>>, vector<1024x1xf32>,
    return
  }
  func.func @transform_0(%arg0: i32) -> (i32, i32) {
    %c0_i32 = arith.constant 0 : i32
    %c0_i32_0 = arith.constant 0 : i32
    return %arg0, %c0_i32 : i32, i32
  }
  func.func @transform_1(%arg0: i32) -> (i32, i32) {
    %c0_i32 = arith.constant 0 : i32
    %c0_i32_0 = arith.constant 0 : i32
    %c0_i32_1 = arith.constant 0 : i32
    return %c0_i32, %c0_i32_0 : i32, i32
  }
  func.func @transform_2(%arg0: i32) -> i32 {
    %c0_i32 = arith.constant 0 : i32
    %c0_i32_0 = arith.constant 0 : i32
    return %c0_i32 : i32
  }
  func.func @transform_3(%arg0: i32) -> i32 {
    %c0_i32 = arith.constant 0 : i32
    %c0_i32_0 = arith.constant 0 : i32
    return %c0_i32 : i32
  }
  func.func @transform_4(%arg0: i32) -> i32 {
    %c0_i32 = arith.constant 0 : i32
    %c0_i32_0 = arith.constant 0 : i32
    return %c0_i32 : i32
  }
  func.func @transform_5(%arg0: i32) -> (i32, i32) {
    %c0_i32 = arith.constant 0 : i32
    %c0_i32_0 = arith.constant 0 : i32
    %c0_i32_1 = arith.constant 0 : i32
    return %c0_i32, %c0_i32_0 : i32, i32
  }
  func.func @transform_6(%arg0: i32) -> i32 {
    %c0_i32 = arith.constant 0 : i32
    %c0_i32_0 = arith.constant 0 : i32
    return %c0_i32 : i32
  }
  func.func @transform_7(%arg0: i32) -> (i32, i32) {
    %c0_i32 = arith.constant 0 : i32
    %c0_i32_0 = arith.constant 0 : i32
    return %arg0, %c0_i32 : i32, i32
  }
  func.func @transform_8(%arg0: i32) -> (i32, i32) {
    %c0_i32 = arith.constant 0 : i32
    %c0_i32_0 = arith.constant 0 : i32
    return %arg0, %c0_i32 : i32, i32
  }
  func.func @transform_9(%arg0: i32) -> (i32, i32) {
    %c0_i32 = arith.constant 0 : i32
    %c0_i32_0 = arith.constant 0 : i32
    return %arg0, %c0_i32 : i32, i32
  }
}

module attributes {stable_mosaic.version = 14 : i64} {
  func.func @_finish_body(%arg0: i32, %arg1: memref<1024x256xf32, #tpu.memory_space<vmem>>, %arg2: memref<1024x256xf32, #tpu.memory_space<vmem>>, %arg3: memref<1024x1xf32, #tpu.memory_space<vmem>>, %arg4: memref<32x1024xf32, #tpu.memory_space<vmem>>, %arg5: memref<32x1024xi32, #tpu.memory_space<vmem>>, %arg6: memref<1024x256xf32, #tpu.memory_space<vmem>>, %arg7: memref<1024x1xi32, #tpu.memory_space<vmem>>) attributes {dimension_semantics = [#tpu.dimension_semantics<arbitrary>], iteration_bounds = array<i64: 10>, scalar_prefetch = 0 : i64, scratch_operands = 0 : i64, tpu.core_type = #tpu.core_type<tc>, window_params = [{transform_indices = @transform_0, window_bounds = array<i64: 1024, 256>}, {transform_indices = @transform_1, window_bounds = array<i64: 1024, 256>}, {transform_indices = @transform_2, window_bounds = array<i64: 1024, 1>}, {transform_indices = @transform_3, window_bounds = array<i64: 32, 1024>}, {transform_indices = @transform_4, window_bounds = array<i64: 32, 1024>}, {transform_indices = @transform_5, window_bounds = array<i64: 1024, 256>}, {transform_indices = @transform_6, window_bounds = array<i64: 1024, 1>}]} {
    %get3A = arith.constant 0 : index
    %get3A_0 = arith.constant 0 : index
    %get3A_1 = vector.load %arg4[%get3A, %get3A_0] : memref<32x1024xf32, #tpu.memory_space<vmem>>, vector<32x1024xf32>
    %reduce_sum3A = arith.constant dense<0.000000e+00> : vector<1024xf32>
    %reduce_sum3A_2 = vector.multi_reduction <add>, %get3A_1, %reduce_sum3A [0] : vector<32x1024xf32> to vector<1024xf32>
    %reshape3A = vector.shape_cast %reduce_sum3A_2 : vector<1024xf32> to vector<1024x1xf32>
    %get3A_3 = arith.constant 0 : index
    %get3A_4 = arith.constant 0 : index
    %get3A_5 = vector.load %arg3[%get3A_3, %get3A_4] : memref<1024x1xf32, #tpu.memory_space<vmem>>, vector<1024x1xf32>
    %get3A_6 = arith.constant 0 : index
    %get3A_7 = arith.constant 0 : index
    %get3A_8 = vector.load %arg2[%get3A_6, %get3A_7] : memref<1024x256xf32, #tpu.memory_space<vmem>>, vector<1024x256xf32>
    %mul3A = arith.constant 5.000000e-01 : f32
    %mul3A_9 = vector.broadcast %mul3A : f32 to vector<1024x256xf32>
    %mul3A_10 = arith.mulf %get3A_8, %mul3A_9 : vector<1024x256xf32>
    %add3A = arith.constant 5.000000e-01 : f32
    %add3A_11 = vector.broadcast %add3A : f32 to vector<1024x256xf32>
    %add3A_12 = arith.addf %mul3A_10, %add3A_11 : vector<1024x256xf32>
    %get3A_13 = arith.constant 0 : index
    %get3A_14 = arith.constant 0 : index
    %get3A_15 = vector.load %arg1[%get3A_13, %get3A_14] : memref<1024x256xf32, #tpu.memory_space<vmem>>, vector<1024x256xf32>
    %mul3A_16 = vector.broadcast %get3A_5 : vector<1024x1xf32> to vector<1024x256xf32>
    %mul3A_17 = arith.mulf %get3A_15, %mul3A_16 : vector<1024x256xf32>
    %mul3A_18 = vector.broadcast %reshape3A : vector<1024x1xf32> to vector<1024x256xf32>
    %mul3A_19 = arith.mulf %mul3A_18, %mul3A_17 : vector<1024x256xf32>
    %sub3A = arith.constant 1.000000e+00 : f32
    %sub3A_20 = vector.broadcast %sub3A : f32 to vector<1024x1xf32>
    %sub3A_21 = arith.subf %sub3A_20, %reshape3A : vector<1024x1xf32>
    %mul3A_22 = vector.broadcast %sub3A_21 : vector<1024x1xf32> to vector<1024x256xf32>
    %mul3A_23 = arith.mulf %mul3A_22, %add3A_12 : vector<1024x256xf32>
    %add3A_24 = arith.addf %mul3A_19, %mul3A_23 : vector<1024x256xf32>
    %swap3A = arith.constant 0 : index
    %swap3A_25 = arith.constant 0 : index
    %swap3A_26 = vector.load %arg6[%swap3A, %swap3A_25] : memref<1024x256xf32, #tpu.memory_space<vmem>>, vector<1024x256xf32>
    tpu.vector_store %arg6[%swap3A, %swap3A_25], %add3A_24 {strides = array<i32>} : memref<1024x256xf32, #tpu.memory_space<vmem>>, vector<1024x256xf32>,
    %get3A_27 = arith.constant 0 : index
    %get3A_28 = arith.constant 0 : index
    %get3A_29 = vector.load %arg5[%get3A_27, %get3A_28] : memref<32x1024xi32, #tpu.memory_space<vmem>>, vector<32x1024xi32>
    %reduce_sum3A_30 = arith.constant dense<0> : vector<1024xi32>
    %reduce_sum3A_31 = vector.multi_reduction <add>, %get3A_29, %reduce_sum3A_30 [0] : vector<32x1024xi32> to vector<1024xi32>
    %reshape3A_32 = vector.shape_cast %reduce_sum3A_31 : vector<1024xi32> to vector<1024x1xi32>
    %gt3A = arith.constant 0 : i32
    %gt3A_33 = vector.broadcast %gt3A : i32 to vector<1024x1xi32>
    %gt3A_34 = arith.cmpi sgt, %reshape3A_32, %gt3A_33 : vector<1024x1xi32>
    %convert_element_type3A = arith.extui %gt3A_34 : vector<1024x1xi1> to vector<1024x1xi32>
    %swap3A_35 = arith.constant 0 : index
    %swap3A_36 = arith.constant 0 : index
    %swap3A_37 = vector.load %arg7[%swap3A_35, %swap3A_36] : memref<1024x1xi32, #tpu.memory_space<vmem>>, vector<1024x1xi32>
    tpu.vector_store %arg7[%swap3A_35, %swap3A_36], %convert_element_type3A {strides = array<i32>} : memref<1024x1xi32, #tpu.memory_space<vmem>>, vector<1024x1xi32>,
    return
  }
  func.func @transform_0(%arg0: i32) -> (i32, i32) {
    %c0_i32 = arith.constant 0 : i32
    %c0_i32_0 = arith.constant 0 : i32
    return %arg0, %c0_i32 : i32, i32
  }
  func.func @transform_1(%arg0: i32) -> (i32, i32) {
    %c0_i32 = arith.constant 0 : i32
    %c0_i32_0 = arith.constant 0 : i32
    return %arg0, %c0_i32 : i32, i32
  }
  func.func @transform_2(%arg0: i32) -> (i32, i32) {
    %c0_i32 = arith.constant 0 : i32
    %c0_i32_0 = arith.constant 0 : i32
    return %arg0, %c0_i32 : i32, i32
  }
  func.func @transform_3(%arg0: i32) -> (i32, i32) {
    %c0_i32 = arith.constant 0 : i32
    %c0_i32_0 = arith.constant 0 : i32
    return %c0_i32, %arg0 : i32, i32
  }
  func.func @transform_4(%arg0: i32) -> (i32, i32) {
    %c0_i32 = arith.constant 0 : i32
    %c0_i32_0 = arith.constant 0 : i32
    return %c0_i32, %arg0 : i32, i32
  }
  func.func @transform_5(%arg0: i32) -> (i32, i32) {
    %c0_i32 = arith.constant 0 : i32
    %c0_i32_0 = arith.constant 0 : i32
    return %arg0, %c0_i32 : i32, i32
  }
  func.func @transform_6(%arg0: i32) -> (i32, i32) {
    %c0_i32 = arith.constant 0 : i32
    %c0_i32_0 = arith.constant 0 : i32
    return %arg0, %c0_i32 : i32, i32
  }
}

</mosaic_0001>

<sc_bundles>
// kernel: kernel.6.cloned.1.call-start
scs
__scs_entry_jumppad:
0x0: {  	(pc) =	sbr.rel $0x88, $3  }
0x1: {  	(tag) =	ssettag $0x0;
	lr =	simm.s32 $0x1  }
0x2: {  	[smem:$0x3F97] =	sst lr;
	_ =	strace $0xD0000000  }
0x3: {  	_ = 	snop  }
0x4: {  	_ = 	snop  }
0x5: {  	_ = 	snop  }
0x6: {  	_ = 	snop  }
0x7: {  	_ = 	snop  }
__scs_overlays_trampoline_lowered:
0x8: {  	[smem:$0x3FA6] =	sst s0  }
0x9: {  	[smem:$0x3FA7] =	sst s1  }
0xa: {  	[smem:$0x3FA8] =	sst s2  }
0xb: {  	[smem:$0x3FA9] =	sst s3  }
0xc: {  	[smem:$0x3FAA] =	sst s4  }
0xd: {  	[smem:$0x3FAB] =	sst s5  }
0xe: {  	[smem:$0x3FAC] =	sst s6  }
0xf: {  	[smem:$0x3FAD] =	sst s7  }
0x10: {  	[smem:$0x3FAE] =	sst s8  }
0x11: {  	[smem:$0x3FAF] =	sst s9;
	s0 =	simm.s32 @!p0 $0x0  }
0x12: {  	s1 =	sld [smem:$0x3F95];
	s0 =	simm.s32 @p0 $0x1  }
0x13: {  	[smem:$0x3FB0] =	sst s0;
	s0 =	simm.s32 @!p1 $0x0  }
0x14: {  	s2 =	sld [smem:$0x3F94];
	s0 =	simm.s32 @p1 $0x1  }
0x15: {  	[smem:$0x3FB1] =	sst s0;
	s0 =	simm.s32 @!p2 $0x0  }
0x16: {  	s3 =	sld [smem:$0x3FDB];
	s0 =	simm.s32 @p2 $0x1  }
0x17: {  	s4 =	simm.s32 $0x1BF5;
	[smem:$0x3FB3] =	sst s0  }
0x18: {  	s0 =	sld [smem:$0x3F96];
	_ =	swait.ge [sflag:s4], $0x0  }
0x19: {  	s7 =	sld [smem:$0x3F97]  }
0x1a: {  	s8 =	sadd.s32 $0xFFFFE003, lr  }
0x1b: {  	s9 =	sadd.s32 $0xFFFFFEF7, lr;
	s5 =	simm.s32 $0xFFFFFFFF;
	p2 =	slt.u32 s8, $0xFFFFF086  }
0x1c: {  	p1 =	slt.u32 s9, $0xF7A;
	s5 =	simm.s32 @!p2 $0x0  }
0x1d: {  	s5 =	simm.s32 @p1 $0x1;
	p0 =	seq.s32 s7, s2  }
0x1e: {  	s7 =	smul.u32 @!p0 $0xF7A, s2;
	p2 =	seq.s32 @!p0 s5, $0x0  }
0x1f: {  	s9 =	smul.u32 $0xF7A, s1;
	s8 =	simm.s32 @!p0 $0x1BF5;
	p2 =	por !p2, p0  }
0x20: {  	[sflag:s8] =	ssyncset.s32 @!p0 $0xFFFFF086;
	s6 =	sadd.s32 @!p0 s3, s7;
	s7 =	simm.s32 @!p0 $0x108  }
0x21: {  	s3 =	sadd.s32 s3, s9;
	s6 =	sadd.s32 @!p0 $0x88, s6;
	s7 =	simm.s32 @p2 $0x1082  }
0x22: {  	[simem:s7], [sflag:s8] =	dma.local @!p0 [hbm:s6], $0xF7A  }
0x23: {  	s9 =	sor.u32 $0xD0000000, s2;
	s6 =	simm.s32 $0x108;
	_ =	swait.ge @!p0 [sflag:s8], $0x0  }
0x24: {  	s3 =	sadd.s32 $0x88, s3;
	s6 =	simm.s32 @!p1 $0x1082;
	[sflag:s4] =	ssyncset.s32 $0xFFFFF086  }
0x25: {  	[simem:s6], [sflag:s4] =	dma.local [hbm:s3], $0xF7A  }
0x26: {  	[smem:$0x3F97] =	sst s1;
	(tag) =	ssettag s2;
	_ =	strace s9  }
0x27: {  	s1 =	sld [smem:$0x3FA7]  }
0x28: {  	s2 =	sld [smem:$0x3FA8]  }
0x29: {  	s4 =	sld [smem:$0x3FAA]  }
0x2a: {  	p0 =	seq.s32 s5, $0x0;
	s5 =	sld [smem:$0x3FAB]  }
0x2b: {  	s6 =	sld [smem:$0x3FAC]  }
0x2c: {  	s7 =	sld [smem:$0x3FAD]  }
0x2d: {  	s3 =	simm.s32 $0x108;
	s8 =	sld [smem:$0x3FAE]  }
0x2e: {  	s3 =	simm.s32 @!p0 $0x1082;
	s9 =	sld [smem:$0x3FAF]  }
0x2f: {  	lr =	sadd.s32 s0, s3;
	s0 =	sld [smem:$0x3FA6]  }
0x30: {  	s3 =	sld [smem:$0x3FA9]  }
0x31: {  	[smem:$0x3FB2] =	sst s10  }
0x32: {  	s10 =	sld [smem:$0x3FB0];
	_ =	sdelay $0x3  }
0x33: {  	p0 =	seq.s32 s10, $0x1;
	s10 =	sld [smem:$0x3FB2];
	_ =	sdelay $0x3  }
0x34: {  	[smem:$0x3FB2] =	sst s10  }
0x35: {  	s10 =	sld [smem:$0x3FB1];
	_ =	sdelay $0x3  }
0x36: {  	p1 =	seq.s32 s10, $0x1;
	s10 =	sld [smem:$0x3FB2];
	_ =	sdelay $0x3  }
0x37: {  	[smem:$0x3FB2] =	sst s10  }
0x38: {  	s10 =	sld [smem:$0x3FB3]  }
0x39: {  	_ = 	snop;
	(pc) =	sbr.ind lr, $3  }
0x3a: {  	_ = 	snop  }
0x3b: {  	_ = 	snop  }
0x3c: {  	p2 =	seq.s32 s10, $0x1;
	s10 =	sld [smem:$0x3FB2]  }
0x3d: {  	_ =	shalt  }
0x3e: {  	_ =	shalt  }
0x3f: {  	_ =	shalt  }
0x40: {  	_ =	shalt  }
0x41: {  	_ =	shalt  }
0x42: {  	_ =	shalt  }
0x43: {  	_ =	shalt  }
0x44: {  	_ =	shalt  }
0x45: {  	_ =	shalt  }
0x46: {  	_ =	shalt  }
0x47: {  	_ =	shalt  }
0x48: {  	_ =	shalt  }
0x49: {  	_ =	shalt  }
0x4a: {  	_ =	shalt  }
0x4b: {  	_ =	shalt  }
0x4c: {  	_ =	shalt  }
0x4d: {  	_ =	shalt  }
0x4e: {  	_ =	shalt  }
0x4f: {  	_ =	shalt  }
0x50: {  	_ =	shalt  }
0x51: {  	_ =	shalt  }
0x52: {  	_ =	shalt  }
0x53: {  	_ =	shalt  }
0x54: {  	_ =	shalt  }
0x55: {  	_ =	shalt  }
0x56: {  	_ =	shalt  }
0x57: {  	_ =	shalt  }
0x58: {  	_ =	shalt  }
0x59: {  	_ =	shalt  }
0x5a: {  	_ =	shalt  }
0x5b: {  	_ =	shalt  }
0x5c: {  	_ =	shalt  }
0x5d: {  	_ =	shalt  }
0x5e: {  	_ =	shalt  }
0x5f: {  	_ =	shalt  }
0x60: {  	_ =	shalt  }
0x61: {  	_ =	shalt  }
0x62: {  	_ =	shalt  }
0x63: {  	_ =	shalt  }
0x64: {  	_ =	shalt  }
0x65: {  	_ =	shalt  }
0x66: {  	_ =	shalt  }
0x67: {  	_ =	shalt  }
0x68: {  	_ =	shalt  }
0x69: {  	_ =	shalt  }
0x6a: {  	_ =	shalt  }
0x6b: {  	_ =	shalt  }
0x6c: {  	_ =	shalt  }
0x6d: {  	_ =	shalt  }
0x6e: {  	_ =	shalt  }
0x6f: {  	_ =	shalt  }
0x70: {  	_ =	shalt  }
0x71: {  	_ =	shalt  }
0x72: {  	_ =	shalt  }
0x73: {  	_ =	shalt  }
0x74: {  	_ =	shalt  }
0x75: {  	_ =	shalt  }
0x76: {  	_ =	shalt  }
0x77: {  	_ =	shalt  }
0x78: {  	_ =	shalt  }
0x79: {  	_ =	shalt  }
0x7a: {  	_ =	shalt  }
0x7b: {  	_ =	shalt  }
0x7c: {  	_ =	shalt  }
0x7d: {  	_ =	shalt  }
0x7e: {  	_ =	shalt  }
0x7f: {  	_ =	shalt  }
0x80: {  	_ =	shalt  }
0x81: {  	_ =	shalt  }
0x82: {  	_ =	shalt  }
0x83: {  	_ =	shalt  }
0x84: {  	_ =	shalt  }
0x85: {  	_ =	shalt  }
0x86: {  	_ =	shalt  }
0x87: {  	_ =	shalt  }
.Lfunc_end0:
.L_simem_size_0:
called_computation_lowered:
.L_overlay_start_0:
0x88: {  	s2 =	sld [smem:$0x3FD9]  }
0x89: {  	s3 =	sld [smem:$0x3FFE];
	_ =	sdelay $0x1  }
0x8a: {  	s1 =	srdreg.scid  }
0x8b: {  	s0 =	sand.u32 $0x1, s1  }
0x8c: {  	s16 =	sshll.u32 s0, $0xA;
	s2 =	sadd.s32 s3, s2  }
0x8d: {  	s2 =	sadd.s32 s2, s16  }
0x8e: {  	[smem:$0x3FBE] =	sst s2  }
0x8f: {  	_ = 	snop  }
0x90: {  	(tm) =	ssettm $0x1  }
0x91: {  	s17 =	sld [smem:$0x3FFB];
	_ =	sdelay $0x3  }
0x92: {  	_ =	strace s17  }
0x93: {  	s2 =	sld [smem:$0x3FFC];
	_ =	sdelay $0x3  }
0x94: {  	_ =	strace s2  }
0x95: {  	s2 =	sld [smem:$0x3FFD];
	_ =	sdelay $0x3  }
0x96: {  	_ =	strace s2  }
0x97: {  	_ =	strace $0x8FFFFFFF  }
0x98: {  	s18 =	sld [smem:$0x3FDB];
	_ =	sdelay $0x1  }
0x99: {  	s19 =	simm.s32 $_scs_section_size  }
0x9a: {  	s4 =	simm.s32 $_size__tile_overlayer_lowered;
	s5 =	simm.s32 $_tile_overlayer_lowered  }
0x9b: {  	s22 =	simm.s32 $0x1BFF;
	s21 =	sshll.u32 s5, $0x1;
	s2 =	sadd.s32 s19, s18  }
0x9c: {  	s6 =	simm.s32 $0x0;
	s20 =	sshll.u32 s4, $0x1;
	s4 =	sadd.s32 s21, s2  }
0x9d: {  	[timem:s6], [sflag:s22] =	dma.local [hbm:s4], s20  }
0x9e: {  	_ =	swait.ge [sflag:s22], s20  }
0x9f: {  	s3 =	ssub.s32 $0x0, s20;
	[sflag:s22] =	ssyncset.done $0x0  }
0xa0: {  	[sflag:s22] =	ssyncadd.s32 s3;
	_ =	sdelay $0x1  }
0xa1: {  	s23 =	simm.s32 $0x1B8B  }
0xa2: {  	_ =	swait.ge [sflag:s23], $0x1  }
0xa3: {  	[sflag:s23] =	ssyncset.done $0x0  }
0xa4: {  	s25 =	simm.s32 $0x1B8E;
	s24 =	sld [smem:$0x3FFE];
	[sflag:s23] =	ssyncadd.s32 $0xFFFFFFFF  }
0xa5: {  	s26 =	simm.s32 $execute0_lowered;
	[smem:$0x3FD2] =	sst s25  }
0xa6: {  	s4 =	sshll.u32 s26, $0x1;
	_ =	strace $0x80000046;
	[dreg:$0x1] =	wrdreg $0xFFFFFFFF  }
0xa7: {  	s28 =	simm.s32 $_size_execute0_lowered;
	s2 =	sadd.s32 s2, s4;
	[dreg:$0x0] =	wrdreg $0x0  }
0xa8: {  	s4 =	sshll.u32 s28, $0x1;
	[dreg:$0x2] =	wrdreg s2  }
0xa9: {  	[dreg:$0x3] =	wrdreg s4  }
0xaa: {  	[dreg:$0x4] =	wrdreg $0xC0  }
0xab: {  	_ =	task [dreg:s6], $0x5FFFF  }
0xac: {  	[dreg:$0x1] =	wrdreg $0xFFFFFFFF  }
0xad: {  	[dreg:$0x0] =	wrdreg $0x60  }
0xae: {  	[dreg:$0x2] =	wrdreg s24  }
0xaf: {  	[dreg:$0x3] =	wrdreg $0x9  }
0xb0: {  	_ =	task.clear_ibuf [dreg:s6], $0x4FFFF;
	_ =	strace $0x90000046  }
0xb1: {  	s29 =	simm.s32 $0x9;
	_ =	strace $0x80000048  }
0xb2: {  	_ =	swait.ge [sflag:s29], $0x1  }
0xb3: {  	[sflag:s29] =	ssyncadd.s32 $0xFFFFFFFF  }
0xb4: {  	_ =	strace $0x90000048  }
0xb5: {  	_ =	sfence  }
0xb6: {  	s30 =	sld [smem:$0x0];
	_ =	sdelay $0x2  }
0xb7: {  	s31 =	sshll.u32 s1, $0xD;
	s1 =	sshrl.u32 s1, $0x2  }
0xb8: {  	s3 =	sand.u32 $0x4000, s31;
	s1 =	sadd.s32 s1, s30  }
0xb9: {  	s0 =	sor.u32 s3, s0;
	s1 =	sshll.u32 s1, $0x11  }
0xba: {  	s0 =	sor.u32 s1, s0  }
0xbb: {  	s0 =	sadd.s32 $0x8F2B, s0  }
0xbc: {  	[sflag:s0] =	ssyncadd.remote.s32 $0x1  }
0xbd: {  	_ =	sfence.sel $0xFFFF  }
0xbe: {  	[dreg:$0x0] =	wrdreg $0xFFFFFFFF;
	(pc) =	sbr.abs _section_cstart, $3  }
0xbf: {  	[dreg:$0x1] =	wrdreg $0xFFFFFFFF  }
0xc0: {  	_ =	task.clear_ibuf [dreg:s6], $0x2FFFF;
	_ =	strace $0x9FFFFFFF  }
0xc1: {  	(tm) =	ssettm $0x7FFFFFFF  }
tec
execute0_lowered:
.L_overlay_start_1:
0x0: {  	(tag) =	ssettag $0x1  }
0x1: {  	s5 =	rddreg [dreg:$0x0]  }
0x2: {  	s2 =	srdreg.scid;
	s1 =	stileid.u32  }
0x3: {  	s0 =	rddreg [dreg:$0x1];
	s10 =	simm.s32 $0x2880;
	s11 =	simm.s32 $0x5100  }
0x4: {  	s12 =	simm.s32 $0x80;
	s13 =	simm.s32 $0x400;
	s14 =	simm.s32 $0x0  }
0x5: {  	s4 =	sand.u32 $0x1, s2;
	s3 =	sshll.u32 s1, $0x1;
	s2 =	simm.s32 $0x0  }
0x6: {  	s29 =	sshrl.u32 s1, $0x2;
	s6 =	sor.u32 s4, s3;
	[smem:$0x7FF] =	sst s2  }
0x7: {  	s7 =	smul.u32 $0x14000, s29;
	s3 =	sadd.s32 $0x1C00, s5;
	s30 =	sshll.u32 s6, $0x7  }
.Ltmp0:
0x8: {  	s31 =	ssub.s32 $0x2, s4;
	s8 =	sand.u32 $0x380, s30;
	(pc) =	sbr.rel .LBB2_1-.Ltmp0, $4  }
0x9: {  	s4 =	sadd.s32 $0x2200, s5;
	s9 =	sshrl.u32 s31, $0x1;
	s7 =	sor.u32 s7, s8  }
0xa: {  	_ =	strace $0x80000047;
	s8 =	ssub.s32 s31, s9;
	s7 =	sshrl.u32 s7, $0x3  }
0xb: {  	v0 =	vlaneseq.u32;
	s9 =	simm.s32 $0x1;
	s7 =	sadd.s32 s7, s5;
	s5 =	sshll.u32 s6, $0x1  }
0xc: {  	v1 =	vimm.f32 $0.0e+00;
	v2 =	vimm.s32 $0x0;
	v3 =	vor.u32 $0x2800, v0;
	s8 =	smax.u32 s8, $0x1;
	s6 =	sadd.s32 $0x2, s5;
	s7 =	sadd.s32 $0x2800, s7  }
.LBB2_31:
0xd: {  	s14 =	sadd.s32 $0x1, s14  }
0xe: {  	p0 =	sne.s32 s14, s8  }
.Ltmp1:
0xf: {  	_ = 	snop;
	(pc) =	sbr.rel @!p0 .LBB2_32-.Ltmp1, $4  }
0x10: {  	[hbm4b:s7+s12] =	stream.strided.scatter [tilespmem:s11], [sflag:$0x1], $0x2800, s13, s12, $0x38;
	[tilespmem:$0x7980] =	vst v63  }
0x11: {  	_ =	swait.ge [sflag:s9], $0x2800  }
0x12: {  	[sflag:s9] =	ssyncset.done $0x0  }
0x13: {  	[sflag:s9] =	ssyncadd.s32 $0xFFFFD800  }
.LBB2_1:
0x14: {  	[tilespmem:s2], [sflag:$0x1] =	stream.linear.gather [hbm4b:s3+s2], $0x2800, $0x38;
	[tilespmem:$0x7980] =	vst v63  }
0x15: {  	_ =	swait.ge [sflag:s9], $0x2800  }
0x16: {  	[sflag:s9] =	ssyncset.done $0x0  }
0x17: {  	[sflag:s9] =	ssyncadd.s32 $0xFFFFD800  }
0x18: {  	[tilespmem:s10], [sflag:$0x1] =	stream.linear.gather [hbm4b:s4+s2], $0x2800, $0x38;
	[tilespmem:$0x7980] =	vst v63  }
0x19: {  	_ =	swait.ge [sflag:s9], $0x2800  }
0x1a: {  	s15 =	simm.s32 $0x40;
	[sflag:s9] =	ssyncset.done $0x0  }
0x1b: {  	s18 =	simm.s32 $0x0;
	s16 =	simm.s32 $0x2800;
	[sflag:s9] =	ssyncadd.s32 $0xFFFFD800  }
.LBB2_2:
0x1c: {  	p0 =	sne.s32 s15, $0x9FC0;
	[tilespmem:s18+$0x5100] =	vst v1;
	s17 =	smov.u32 s15;
	s15 =	sadd.s32 $0x40, s15  }
.Ltmp2:
0x1d: {  	(pc) =	sbr.rel @p0 .LBB2_2-.Ltmp2, $2  }
0x1e: {  	_ =	sdelay $0x2  }
0x1f: {  	s18 =	sshra.s32 s17, $0x2  }
0x20: {  	s17 =	simm.s32 $0x0;
	s20 =	simm.s32 $0x2800  }
0x21: {  	[tilespmem:s18+$0x5100] =	vst v1;
	s18 =	simm.s32 $0xD;
	s15 =	simm.s32 $0x0;
	s19 =	simm.s32 $0x2800  }
.LBB2_4:
0x22: {  	s21 =	smov.u32 s19  }
0x23: {  	p0 =	sne.s32 s18, $0x1;
	s19 =	sand.u32 $0x1, s20  }
0x24: {  	p1 =	slt.s32 s20, $0x1;
	p2 =	seq.s32 s19, $0x1  }
0x25: {  	s19 =	sshrl.u32 s20, $0x1F;
	p1 =	por !p1, !p2  }
0x26: {  	s19 =	sadd.s32 s19, s20;
	s20 =	simm.s32 $0x1;
	p1 =	por !p1, !p1  }
0x27: {  	s19 =	sshra.s32 s19, $0x1;
	s20 =	simm.s32 @!p1 $0x0  }
0x28: {  	s19 =	ssub.s32 s19, s20  }
0x29: {  	v4 =	vld [tilespmem:s19+$0x2880];
	_ =	sdelay $0x4  }
0x2a: {  	(v2sf) =	vpush v4, $0x0;
	_ =	sdelay $0xd  }
.Ltmp3:
0x2b: {  	(pc) =	sbr.rel @p0 .LBB2_4-.Ltmp3, $4  }
0x2c: {  	s20 =	spop (v2sf)  }
0x2d: {  	p1 =	slt.s32 s20, s5;
	s20 =	sadd.s32 $0x1, s19  }
0x2e: {  	s15 =	smov.u32 @p1 s20;
	s19 =	smov.u32 @p1 s21  }
0x2f: {  	s18 =	sadd.s32 $0xFFFFFFFF, s18;
	s20 =	sadd.s32 s15, s19  }
0x30: {  	s18 =	sand.u32 $0x1, s20  }
0x31: {  	p0 =	slt.s32 s20, $0x1;
	p1 =	seq.s32 s18, $0x1  }
0x32: {  	s30 =	sshrl.u32 s20, $0x1F;
	p0 =	por !p0, !p1  }
0x33: {  	s19 =	simm.s32 $0x1;
	s18 =	sadd.s32 s30, s20;
	p0 =	por !p0, !p0  }
0x34: {  	s18 =	sshra.s32 s18, $0x1;
	s19 =	simm.s32 @!p0 $0x0  }
0x35: {  	s18 =	ssub.s32 s18, s19  }
0x36: {  	v4 =	vld [tilespmem:s18+$0x2880];
	_ =	sdelay $0x4  }
0x37: {  	(v2sf) =	vpush v4, $0x0;
	_ =	sdelay $0xe  }
0x38: {  	s31 =	spop (v2sf)  }
0x39: {  	s18 =	sadd.s32 $0x1, s18;
	p0 =	slt.s32 s31, s5  }
0x3a: {  	s19 =	simm.s32 $0x2800;
	s15 =	smov.u32 @p0 s18;
	s18 =	simm.s32 $0xD  }
.LBB2_6:
0x3b: {  	s20 =	smov.u32 s17  }
0x3c: {  	p0 =	sne.s32 s18, $0x1;
	s17 =	sand.u32 $0x1, s19  }
0x3d: {  	p1 =	slt.s32 s19, $0x1;
	p2 =	seq.s32 s17, $0x1  }
0x3e: {  	s17 =	sshrl.u32 s19, $0x1F;
	p1 =	por !p1, !p2  }
0x3f: {  	s17 =	sadd.s32 s17, s19;
	s19 =	simm.s32 $0x1;
	p1 =	por !p1, !p1  }
0x40: {  	s17 =	sshra.s32 s17, $0x1;
	s19 =	simm.s32 @!p1 $0x0  }
0x41: {  	s19 =	ssub.s32 s17, s19  }
0x42: {  	v4 =	vld [tilespmem:s19+$0x2880];
	_ =	sdelay $0x4  }
0x43: {  	(v2sf) =	vpush v4, $0x0;
	_ =	sdelay $0xd  }
.Ltmp4:
0x44: {  	(pc) =	sbr.rel @p0 .LBB2_6-.Ltmp4, $4  }
0x45: {  	s17 =	spop (v2sf)  }
0x46: {  	p1 =	sgt.s32 s17, s5;
	s17 =	sadd.s32 $0x1, s19  }
0x47: {  	s17 =	smov.u32 @p1 s20;
	s16 =	smov.u32 @p1 s19  }
0x48: {  	s18 =	sadd.s32 $0xFFFFFFFF, s18;
	s19 =	sadd.s32 s17, s16  }
0x49: {  	s16 =	sand.u32 $0x1, s19  }
0x4a: {  	p0 =	slt.s32 s19, $0x1;
	p1 =	seq.s32 s16, $0x1  }
0x4b: {  	s23 =	sshrl.u32 s19, $0x1F;
	p0 =	por !p0, !p1  }
0x4c: {  	s18 =	simm.s32 $0x1;
	s16 =	sadd.s32 s23, s19;
	p0 =	por !p0, !p0  }
0x4d: {  	s16 =	sshra.s32 s16, $0x1;
	s18 =	simm.s32 @!p0 $0x0  }
0x4e: {  	s16 =	ssub.s32 s16, s18  }
0x4f: {  	v4 =	vld [tilespmem:s16+$0x2880];
	_ =	sdelay $0x4  }
0x50: {  	(v2sf) =	vpush v4, $0x0;
	_ =	sdelay $0xe  }
0x51: {  	s25 =	sshra.s32 s15, $0x1F;
	s28 =	sand.u32 $0xF, s15;
	s24 =	spop (v2sf)  }
0x52: {  	p4 =	slt.s32 s15, $0x1;
	s16 =	sadd.s32 $0x1, s16;
	p0 =	sgt.s32 s24, s5  }
0x53: {  	s20 =	simm.s32 $0x1;
	s26 =	sshrl.u32 s25, $0x1C;
	s16 =	smov.u32 @p0 s17  }
0x54: {  	p5 =	sne.s32 s28, $0x0;
	s19 =	simm.s32 $0x1;
	s29 =	sadd.s32 $0xF, s16  }
0x55: {  	s17 =	sadd.s32 s26, s15;
	p0 =	por !p4, !p5;
	s30 =	sand.u32 $0xF, s29  }
0x56: {  	p6 =	slt.s32 s16, $0xFFFFFFF2;
	s31 =	sshra.s32 s29, $0x1F;
	p2 =	sne.s32 s30, $0x0  }
0x57: {  	s17 =	sshra.s32 s17, $0x4;
	s18 =	sshrl.u32 s31, $0x1C;
	p1 =	por !p6, !p2  }
0x58: {  	p0 =	por !p0, !p0;
	s18 =	sadd.s32 s18, s29;
	p1 =	por !p1, !p1  }
0x59: {  	s20 =	simm.s32 @!p0 $0x0;
	s18 =	sshra.s32 s18, $0x4;
	s19 =	simm.s32 @!p1 $0x0  }
0x5a: {  	s17 =	ssub.s32 s17, s20;
	s18 =	ssub.s32 s18, s19  }
0x5b: {  	p0 =	sge.s32 s17, s18  }
.Ltmp5:
0x5c: {  	_ = 	snop;
	(pc) =	sbr.rel @p0 .LBB2_17-.Ltmp5, $1  }
0x5d: {  	_ =	sdelay $0x3  }
0x5e: {  	s19 =	ssub.s32 s16, s15  }
0x5f: {  	s19 =	smul.u32 $0x9, s19;
	_ =	sdelay $0x1  }
0x60: {  	s20 =	sadd.s32 $0x9, s19  }
0x61: {  	s21 =	smulhi.u32 $0x66666667, s20;
	s22 =	sshra.s32 s20, $0x1F  }
0x62: {  	s22 =	smul.u32 $0x66666667, s22;
	_ =	sdelay $0x1  }
0x63: {  	s21 =	sadd.s32 s22, s21  }
0x64: {  	s22 =	sshrl.u32 s21, $0x1F;
	s21 =	sshra.s32 s21, $0x2  }
0x65: {  	s21 =	sadd.s32 s22, s21  }
0x66: {  	s22 =	smul.u32 $0xFFFFFFF6, s21  }
0x67: {  	s19 =	ssub.s32 $0xFFFFFFF7, s19  }
0x68: {  	p0 =	slt.s32 s20, $0x1;
	p1 =	sne.s32 s22, s19  }
.Ltmp6:
0x69: {  	p0 =	por !p0, !p1;
	(pc) =	sbr.rel .LBB2_9-.Ltmp6, $4  }
0x6a: {  	s19 =	simm.s32 $0x1;
	p0 =	por !p0, !p0  }
0x6b: {  	s19 =	simm.s32 @!p0 $0x0  }
0x6c: {  	s31 =	sshll.u32 s15, $0x2;
	s19 =	ssub.s32 s21, s19  }
0x6d: {  	v4 =	vmov s15;
	v5 =	vmov s16;
	p0 =	sle.s32 s16, s15;
	v6 =	vmov s19;
	s19 =	sshra.s32 s31, $0x2  }
.LBB2_11:
0x6e: {  	v10 =	vimm.s32 $0x0;
	s20 =	smov.u32 s15  }
.LBB2_15:
0x6f: {  	v13 =	vmov s20  }
0x70: {  	vm0 =	veq.f32 v11, v9;
	vm1 =	vlt.s32 v13, v7  }
0x71: {  	vm2 =	vgt.f32 v11, v9;
	vm0 =	vmand vm1, vm0  }
0x72: {  	v9 =	vadd.s32 @p1 v12, v10;
	vm0 =	vmor vm2, vm0  }
0x73: {  	v8 =	vpsel p1, v9, v8;
	v10 =	vsel vm0, $0x1, v2  }
0x74: {  	v8 =	vadd.s32 v10, v8  }
.LBB2_16:
0x75: {  	vm0 =	vge.s32 v7, v4;
	vm1 =	vlt.s32 v7, v5  }
0x76: {  	s17 =	sadd.s32 $0x1, s17;
	vm0 =	vmand vm0, vm1  }
0x77: {  	p1 =	slt.s32 s17, s18;
	v7 =	vsel vm0, v7, v3  }
.Ltmp7:
0x78: {  	_ = 	snop;
	(pc) =	sbr.rel @!p1 .LBB2_17-.Ltmp7, $4  }
0x79: {  	_ = 	snop  }
0x7a: {  	vm15 =	vlt.s32 v8, v6  }
0x7b: {  	v8 =	vsel vm15, $0x3F800000, v1  }
0x7c: {  	[tilespmem:v7+s11+$0x0] =	vst.idx.msk $0xffff, v8  }
.LBB2_9:
.Ltmp8:
0x7d: {  	(pc) =	sbr.rel @p0 .LBB2_16-.Ltmp8, $3  }
0x7e: {  	_ =	sdelay $0x1  }
0x7f: {  	s21 =	sshll.u32 s17, $0x4  }
0x80: {  	v8 =	vimm.s32 $0x0;
	v7 =	vor.u32 s21, v0  }
0x81: {  	s20 =	sadd.s32 $0x1, s15  }
0x82: {  	p2 =	sne.s32 s16, s20  }
.Ltmp9:
0x83: {  	v9 =	vld [tilespmem:s21+$0x0];
	(pc) =	sbr.rel @!p2 .LBB2_11-.Ltmp9, $2  }
0x84: {  	v11 =	vld.msk [tilespmem:s19+$0x0 ss:$0x0], $0xffff;
	_ =	sdelay $0x2  }
0x85: {  	p1 =	por $0x0, $0x0  }
0x86: {  	s21 =	sadd.s32 $0x1, s20  }
0x87: {  	p2 =	sne.s32 s16, s21  }
.Ltmp10:
0x88: {  	v10 =	vmov s15;
	s22 =	sadd.s32 $0x1, s19;
	(pc) =	sbr.rel @!p2 .LBB2_13-.Ltmp10, $4  }
0x89: {  	vm0 =	veq.f32 v11, v9;
	vm1 =	vlt.s32 v10, v7;
	vm2 =	vgt.f32 v11, v9;
	v11 =	vld.msk [tilespmem:s22+$0x0 ss:$0x0], $0xffff  }
0x8a: {  	vm0 =	vmand vm1, vm0  }
0x8b: {  	vm0 =	vmor vm2, vm0  }
0x8c: {  	p1 =	por $0x1, $0x1;
	v10 =	vimm.s32 $0x0;
	v12 =	vsel vm0, $0x1, v2  }
.LBB2_14:
0x8d: {  	s23 =	smov.u32 s21;
	s21 =	sadd.s32 $0x1, s21  }
0x8e: {  	v10 =	vadd.s32 v12, v10;
	p2 =	sne.s32 s16, s21  }
.Ltmp11:
0x8f: {  	v13 =	vmov s20;
	s22 =	sadd.s32 $0x1, s22;
	(pc) =	sbr.rel @p2 .LBB2_14-.Ltmp11, $4  }
0x90: {  	vm0 =	veq.f32 v11, v9;
	v12 =	vmov v11;
	vm1 =	vlt.s32 v13, v7;
	s20 =	smov.u32 s23;
	v11 =	vld.msk [tilespmem:s22+$0x0 ss:$0x0], $0xffff  }
0x91: {  	vm2 =	vgt.f32 v12, v9;
	vm0 =	vmand vm1, vm0  }
0x92: {  	vm0 =	vmor vm2, vm0  }
0x93: {  	v12 =	vsel vm0, $0x1, v2  }
.Ltmp12:
0x94: {  	_ = 	snop;
	(pc) =	sbr.rel .LBB2_15-.Ltmp12, $1  }
0x95: {  	_ =	sdelay $0x3  }
.LBB2_13:
.Ltmp13:
0x96: {  	(pc) =	sbr.rel .LBB2_15-.Ltmp13, $2  }
0x97: {  	_ =	sdelay $0x2  }
0x98: {  	v10 =	vimm.s32 $0x0  }
.LBB2_17:
0x99: {  	s15 =	simm.s32 $0x0;
	s17 =	simm.s32 $0x2800;
	s20 =	simm.s32 $0x2800  }
0x9a: {  	s16 =	simm.s32 $0xD;
	s19 =	simm.s32 $0x0;
	s18 =	simm.s32 $0x2800  }
.LBB2_18:
0x9b: {  	s21 =	smov.u32 s19  }
0x9c: {  	p0 =	sne.s32 s16, $0x1;
	s19 =	sand.u32 $0x1, s20  }
0x9d: {  	p1 =	slt.s32 s20, $0x1;
	p2 =	seq.s32 s19, $0x1  }
0x9e: {  	s19 =	sshrl.u32 s20, $0x1F;
	p1 =	por !p1, !p2  }
0x9f: {  	s19 =	sadd.s32 s19, s20;
	s20 =	simm.s32 $0x1;
	p1 =	por !p1, !p1  }
0xa0: {  	s19 =	sshra.s32 s19, $0x1;
	s20 =	simm.s32 @!p1 $0x0  }
0xa1: {  	s20 =	ssub.s32 s19, s20  }
0xa2: {  	v4 =	vld [tilespmem:s20+$0x2880];
	_ =	sdelay $0x4  }
0xa3: {  	(v2sf) =	vpush v4, $0x0;
	_ =	sdelay $0xd  }
.Ltmp14:
0xa4: {  	(pc) =	sbr.rel @p0 .LBB2_18-.Ltmp14, $4  }
0xa5: {  	s19 =	spop (v2sf)  }
0xa6: {  	p1 =	sgt.s32 s19, s5;
	s19 =	sadd.s32 $0x1, s20  }
0xa7: {  	s19 =	smov.u32 @p1 s21;
	s18 =	smov.u32 @p1 s20  }
0xa8: {  	s16 =	sadd.s32 $0xFFFFFFFF, s16;
	s20 =	sadd.s32 s19, s18  }
0xa9: {  	s16 =	sand.u32 $0x1, s20  }
0xaa: {  	p0 =	slt.s32 s20, $0x1;
	p1 =	seq.s32 s16, $0x1  }
0xab: {  	s30 =	sshrl.u32 s20, $0x1F;
	p0 =	por !p0, !p1  }
0xac: {  	s18 =	simm.s32 $0x1;
	s16 =	sadd.s32 s30, s20;
	p0 =	por !p0, !p0  }
0xad: {  	s16 =	sshra.s32 s16, $0x1;
	s18 =	simm.s32 @!p0 $0x0  }
0xae: {  	s16 =	ssub.s32 s16, s18  }
0xaf: {  	v4 =	vld [tilespmem:s16+$0x2880];
	_ =	sdelay $0x4  }
0xb0: {  	(v2sf) =	vpush v4, $0x0;
	_ =	sdelay $0xe  }
0xb1: {  	s31 =	spop (v2sf)  }
0xb2: {  	s16 =	sadd.s32 $0x1, s16;
	p0 =	sgt.s32 s31, s5  }
0xb3: {  	s18 =	simm.s32 $0xD;
	s16 =	smov.u32 @p0 s19;
	s19 =	simm.s32 $0x2800  }
.LBB2_20:
0xb4: {  	s20 =	smov.u32 s17  }
0xb5: {  	p0 =	sne.s32 s18, $0x1;
	s17 =	sand.u32 $0x1, s19  }
0xb6: {  	p1 =	slt.s32 s19, $0x1;
	p2 =	seq.s32 s17, $0x1  }
0xb7: {  	s17 =	sshrl.u32 s19, $0x1F;
	p1 =	por !p1, !p2  }
0xb8: {  	s17 =	sadd.s32 s17, s19;
	s19 =	simm.s32 $0x1;
	p1 =	por !p1, !p1  }
0xb9: {  	s17 =	sshra.s32 s17, $0x1;
	s19 =	simm.s32 @!p1 $0x0  }
0xba: {  	s17 =	ssub.s32 s17, s19  }
0xbb: {  	v4 =	vld [tilespmem:s17+$0x2880];
	_ =	sdelay $0x4  }
0xbc: {  	(v2sf) =	vpush v4, $0x0;
	_ =	sdelay $0xd  }
.Ltmp15:
0xbd: {  	(pc) =	sbr.rel @p0 .LBB2_20-.Ltmp15, $4  }
0xbe: {  	s19 =	spop (v2sf)  }
0xbf: {  	p1 =	slt.s32 s19, s6;
	s19 =	sadd.s32 $0x1, s17  }
0xc0: {  	s15 =	smov.u32 @p1 s19;
	s17 =	smov.u32 @p1 s20  }
0xc1: {  	s18 =	sadd.s32 $0xFFFFFFFF, s18;
	s19 =	sadd.s32 s15, s17  }
0xc2: {  	s17 =	sand.u32 $0x1, s19  }
0xc3: {  	p0 =	slt.s32 s19, $0x1;
	p1 =	seq.s32 s17, $0x1  }
0xc4: {  	s23 =	sshrl.u32 s19, $0x1F;
	p0 =	por !p0, !p1  }
0xc5: {  	s18 =	simm.s32 $0x1;
	s17 =	sadd.s32 s23, s19;
	p0 =	por !p0, !p0  }
0xc6: {  	s17 =	sshra.s32 s17, $0x1;
	s18 =	simm.s32 @!p0 $0x0  }
0xc7: {  	s17 =	ssub.s32 s17, s18  }
0xc8: {  	v4 =	vld [tilespmem:s17+$0x2880];
	_ =	sdelay $0x4  }
0xc9: {  	(v2sf) =	vpush v4, $0x0;
	_ =	sdelay $0xe  }
0xca: {  	s25 =	sshra.s32 s16, $0x1F;
	s28 =	sand.u32 $0xF, s16;
	s24 =	spop (v2sf)  }
0xcb: {  	p4 =	slt.s32 s16, $0x1;
	s17 =	sadd.s32 $0x1, s17;
	p0 =	slt.s32 s24, s6  }
0xcc: {  	s20 =	simm.s32 $0x1;
	s26 =	sshrl.u32 s25, $0x1C;
	s15 =	smov.u32 @p0 s17  }
0xcd: {  	p5 =	sne.s32 s28, $0x0;
	s19 =	simm.s32 $0x1;
	s29 =	sadd.s32 $0xF, s15  }
0xce: {  	s17 =	sadd.s32 s26, s16;
	p0 =	por !p4, !p5;
	s30 =	sand.u32 $0xF, s29  }
0xcf: {  	p6 =	slt.s32 s15, $0xFFFFFFF2;
	s31 =	sshra.s32 s29, $0x1F;
	p2 =	sne.s32 s30, $0x0  }
0xd0: {  	s17 =	sshra.s32 s17, $0x4;
	s18 =	sshrl.u32 s31, $0x1C;
	p1 =	por !p6, !p2  }
0xd1: {  	p0 =	por !p0, !p0;
	s18 =	sadd.s32 s18, s29;
	p1 =	por !p1, !p1  }
0xd2: {  	s20 =	simm.s32 @!p0 $0x0;
	s18 =	sshra.s32 s18, $0x4;
	s19 =	simm.s32 @!p1 $0x0  }
0xd3: {  	s17 =	ssub.s32 s17, s20;
	s18 =	ssub.s32 s18, s19  }
0xd4: {  	p0 =	sge.s32 s17, s18  }
.Ltmp16:
0xd5: {  	_ = 	snop;
	(pc) =	sbr.rel @p0 .LBB2_31-.Ltmp16, $1  }
0xd6: {  	_ =	sdelay $0x3  }
0xd7: {  	s19 =	ssub.s32 s15, s16  }
0xd8: {  	s19 =	smul.u32 $0x9, s19;
	_ =	sdelay $0x1  }
0xd9: {  	s20 =	sadd.s32 $0x9, s19  }
0xda: {  	s21 =	smulhi.u32 $0x66666667, s20;
	s22 =	sshra.s32 s20, $0x1F  }
0xdb: {  	s22 =	smul.u32 $0x66666667, s22;
	_ =	sdelay $0x1  }
0xdc: {  	s21 =	sadd.s32 s22, s21  }
0xdd: {  	s22 =	sshrl.u32 s21, $0x1F;
	s21 =	sshra.s32 s21, $0x2  }
0xde: {  	s21 =	sadd.s32 s22, s21  }
0xdf: {  	s22 =	smul.u32 $0xFFFFFFF6, s21  }
0xe0: {  	s19 =	ssub.s32 $0xFFFFFFF7, s19  }
0xe1: {  	p0 =	slt.s32 s20, $0x1;
	p1 =	sne.s32 s22, s19  }
.Ltmp17:
0xe2: {  	p0 =	por !p0, !p1;
	(pc) =	sbr.rel .LBB2_23-.Ltmp17, $4  }
0xe3: {  	s19 =	simm.s32 $0x1;
	p0 =	por !p0, !p0  }
0xe4: {  	s19 =	simm.s32 @!p0 $0x0  }
0xe5: {  	s31 =	sshll.u32 s16, $0x2;
	s19 =	ssub.s32 s21, s19  }
0xe6: {  	v4 =	vmov s16;
	v5 =	vmov s15;
	p0 =	sle.s32 s15, s16;
	v6 =	vmov s19;
	s19 =	sshra.s32 s31, $0x2  }
.LBB2_25:
0xe7: {  	v10 =	vimm.s32 $0x0;
	s20 =	smov.u32 s16  }
.LBB2_29:
0xe8: {  	v13 =	vmov s20  }
0xe9: {  	vm0 =	veq.f32 v11, v9;
	vm1 =	vlt.s32 v13, v7  }
0xea: {  	vm2 =	vgt.f32 v11, v9;
	vm0 =	vmand vm1, vm0  }
0xeb: {  	v9 =	vadd.s32 @p1 v12, v10;
	vm0 =	vmor vm2, vm0  }
0xec: {  	v8 =	vpsel p1, v9, v8;
	v10 =	vsel vm0, $0x1, v2  }
0xed: {  	v8 =	vadd.s32 v10, v8  }
.LBB2_30:
0xee: {  	vm0 =	vge.s32 v7, v4;
	vm1 =	vlt.s32 v7, v5  }
0xef: {  	s17 =	sadd.s32 $0x1, s17;
	vm0 =	vmand vm0, vm1  }
0xf0: {  	p1 =	slt.s32 s17, s18;
	v7 =	vsel vm0, v7, v3  }
.Ltmp18:
0xf1: {  	_ = 	snop;
	(pc) =	sbr.rel @!p1 .LBB2_31-.Ltmp18, $4  }
0xf2: {  	_ = 	snop  }
0xf3: {  	vm15 =	vlt.s32 v8, v6  }
0xf4: {  	v8 =	vsel vm15, $0x3F800000, v1  }
0xf5: {  	[tilespmem:v7+s11+$0x0] =	vst.idx.msk $0xffff, v8  }
.LBB2_23:
.Ltmp19:
0xf6: {  	(pc) =	sbr.rel @p0 .LBB2_30-.Ltmp19, $3  }
0xf7: {  	_ =	sdelay $0x1  }
0xf8: {  	s21 =	sshll.u32 s17, $0x4  }
0xf9: {  	v8 =	vimm.s32 $0x0;
	v7 =	vor.u32 s21, v0  }
0xfa: {  	s20 =	sadd.s32 $0x1, s16  }
0xfb: {  	p2 =	sne.s32 s15, s20  }
.Ltmp20:
0xfc: {  	v9 =	vld [tilespmem:s21+$0x0];
	(pc) =	sbr.rel @!p2 .LBB2_25-.Ltmp20, $2  }
0xfd: {  	v11 =	vld.msk [tilespmem:s19+$0x0 ss:$0x0], $0xffff;
	_ =	sdelay $0x2  }
0xfe: {  	p1 =	por $0x0, $0x0  }
0xff: {  	s21 =	sadd.s32 $0x1, s20  }
0x100: {  	p2 =	sne.s32 s15, s21  }
.Ltmp21:
0x101: {  	v10 =	vmov s16;
	s22 =	sadd.s32 $0x1, s19;
	(pc) =	sbr.rel @!p2 .LBB2_27-.Ltmp21, $4  }
0x102: {  	vm0 =	veq.f32 v11, v9;
	vm1 =	vlt.s32 v10, v7;
	vm2 =	vgt.f32 v11, v9;
	v11 =	vld.msk [tilespmem:s22+$0x0 ss:$0x0], $0xffff  }
0x103: {  	vm0 =	vmand vm1, vm0  }
0x104: {  	vm0 =	vmor vm2, vm0  }
0x105: {  	p1 =	por $0x1, $0x1;
	v10 =	vimm.s32 $0x0;
	v12 =	vsel vm0, $0x1, v2  }
.LBB2_28:
0x106: {  	s23 =	smov.u32 s21;
	s21 =	sadd.s32 $0x1, s21  }
0x107: {  	v10 =	vadd.s32 v12, v10;
	p2 =	sne.s32 s15, s21  }
.Ltmp22:
0x108: {  	v13 =	vmov s20;
	s22 =	sadd.s32 $0x1, s22;
	(pc) =	sbr.rel @p2 .LBB2_28-.Ltmp22, $4  }
0x109: {  	vm0 =	veq.f32 v11, v9;
	v12 =	vmov v11;
	vm1 =	vlt.s32 v13, v7;
	s20 =	smov.u32 s23;
	v11 =	vld.msk [tilespmem:s22+$0x0 ss:$0x0], $0xffff  }
0x10a: {  	vm2 =	vgt.f32 v12, v9;
	vm0 =	vmand vm1, vm0  }
0x10b: {  	vm0 =	vmor vm2, vm0  }
0x10c: {  	v12 =	vsel vm0, $0x1, v2  }
.Ltmp23:
0x10d: {  	_ = 	snop;
	(pc) =	sbr.rel .LBB2_29-.Ltmp23, $1  }
0x10e: {  	_ =	sdelay $0x3  }
.LBB2_27:
.Ltmp24:
0x10f: {  	(pc) =	sbr.rel .LBB2_29-.Ltmp24, $2  }
0x110: {  	_ =	sdelay $0x2  }
0x111: {  	v10 =	vimm.s32 $0x0  }
.LBB2_32:
0x112: {  	_ =	sfence.sel $0x180000  }
0x113: {  	[bflag:$0x0] =	sbarrier.arrive $0xFFFF  }
0x114: {  	p0 =	sne.s32 s1, $0x0;
	_ =	strace $0x90000047  }
0x115: {  	s0 =	sadd.s32 @!p0 $0x100000, s0;
	[bflag:$0x2] =	sbarrier.arrive $0xFFFF  }
0x116: {  	[sflag:s0] =	ssyncadd.tile.s32 @!p0 $0x1;
	_ =	shalt  }
.Lfunc_end2:
_tile_overlayer_lowered:
.L_overlay_start_2:
0x117: {  	(tag) =	ssettag $0x2  }
0x118: {  	s0 =	rddreg [dreg:$0x0];
	s2 =	stileid.u32  }
0x119: {  	s1 =	rddreg [dreg:$0x1];
	p0 =	sne.s32 s2, $0x0  }
0x11a: {  	s3 =	rddreg [dreg:$0x2];
	[bflag:$0x3] =	sbarrier.arrive $0xFFFF;
	s2 =	simm.s32 @!p0 $0x1C01  }
0x11b: {  	[timem:s3], [sflag:s2] =	dma.local @!p0 [hbm:s0], s1  }
0x11c: {  	s0 =	simm.s32 @!p0 $0x1  }
0x11d: {  	_ =	swait.ge @!p0 [sflag:s0], s1  }
0x11e: {  	s1 =	ssub.s32 @!p0 $0x0, s1;
	[sflag:s0] =	ssyncset.done @!p0 $0x0  }
0x11f: {  	[sflag:s0] =	ssyncadd.s32 @!p0 s1  }
0x120: {  	[bflag:$0x3] =	sbarrier.arrive $0xFFFF  }
0x121: {  	_ =	shalt  }

// kernel: kernel.9.cloned.1.call-start
scs
__scs_entry_jumppad:
0x0: {  	(pc) =	sbr.rel $0x88, $3  }
0x1: {  	(tag) =	ssettag $0x0;
	lr =	simm.s32 $0x1  }
0x2: {  	[smem:$0x3F97] =	sst lr;
	_ =	strace $0xD0000000  }
0x3: {  	_ = 	snop  }
0x4: {  	_ = 	snop  }
0x5: {  	_ = 	snop  }
0x6: {  	_ = 	snop  }
0x7: {  	_ = 	snop  }
__scs_overlays_trampoline_lowered:
0x8: {  	[smem:$0x3FA6] =	sst s0  }
0x9: {  	[smem:$0x3FA7] =	sst s1  }
0xa: {  	[smem:$0x3FA8] =	sst s2  }
0xb: {  	[smem:$0x3FA9] =	sst s3  }
0xc: {  	[smem:$0x3FAA] =	sst s4  }
0xd: {  	[smem:$0x3FAB] =	sst s5  }
0xe: {  	[smem:$0x3FAC] =	sst s6  }
0xf: {  	[smem:$0x3FAD] =	sst s7  }
0x10: {  	[smem:$0x3FAE] =	sst s8  }
0x11: {  	[smem:$0x3FAF] =	sst s9;
	s0 =	simm.s32 @!p0 $0x0  }
0x12: {  	s1 =	sld [smem:$0x3F95];
	s0 =	simm.s32 @p0 $0x1  }
0x13: {  	[smem:$0x3FB0] =	sst s0;
	s0 =	simm.s32 @!p1 $0x0  }
0x14: {  	s2 =	sld [smem:$0x3F94];
	s0 =	simm.s32 @p1 $0x1  }
0x15: {  	[smem:$0x3FB1] =	sst s0;
	s0 =	simm.s32 @!p2 $0x0  }
0x16: {  	s3 =	sld [smem:$0x3FDB];
	s0 =	simm.s32 @p2 $0x1  }
0x17: {  	s4 =	simm.s32 $0x1BF5;
	[smem:$0x3FB3] =	sst s0  }
0x18: {  	s0 =	sld [smem:$0x3F96];
	_ =	swait.ge [sflag:s4], $0x0  }
0x19: {  	s7 =	sld [smem:$0x3F97]  }
0x1a: {  	s8 =	sadd.s32 $0xFFFFE003, lr  }
0x1b: {  	s9 =	sadd.s32 $0xFFFFFEF7, lr;
	s5 =	simm.s32 $0xFFFFFFFF;
	p2 =	slt.u32 s8, $0xFFFFF086  }
0x1c: {  	p1 =	slt.u32 s9, $0xF7A;
	s5 =	simm.s32 @!p2 $0x0  }
0x1d: {  	s5 =	simm.s32 @p1 $0x1;
	p0 =	seq.s32 s7, s2  }
0x1e: {  	s7 =	smul.u32 @!p0 $0xF7A, s2;
	p2 =	seq.s32 @!p0 s5, $0x0  }
0x1f: {  	s9 =	smul.u32 $0xF7A, s1;
	s8 =	simm.s32 @!p0 $0x1BF5;
	p2 =	por !p2, p0  }
0x20: {  	[sflag:s8] =	ssyncset.s32 @!p0 $0xFFFFF086;
	s6 =	sadd.s32 @!p0 s3, s7;
	s7 =	simm.s32 @!p0 $0x108  }
0x21: {  	s3 =	sadd.s32 s3, s9;
	s6 =	sadd.s32 @!p0 $0x88, s6;
	s7 =	simm.s32 @p2 $0x1082  }
0x22: {  	[simem:s7], [sflag:s8] =	dma.local @!p0 [hbm:s6], $0xF7A  }
0x23: {  	s9 =	sor.u32 $0xD0000000, s2;
	s6 =	simm.s32 $0x108;
	_ =	swait.ge @!p0 [sflag:s8], $0x0  }
0x24: {  	s3 =	sadd.s32 $0x88, s3;
	s6 =	simm.s32 @!p1 $0x1082;
	[sflag:s4] =	ssyncset.s32 $0xFFFFF086  }
0x25: {  	[simem:s6], [sflag:s4] =	dma.local [hbm:s3], $0xF7A  }
0x26: {  	[smem:$0x3F97] =	sst s1;
	(tag) =	ssettag s2;
	_ =	strace s9  }
0x27: {  	s1 =	sld [smem:$0x3FA7]  }
0x28: {  	s2 =	sld [smem:$0x3FA8]  }
0x29: {  	s4 =	sld [smem:$0x3FAA]  }
0x2a: {  	p0 =	seq.s32 s5, $0x0;
	s5 =	sld [smem:$0x3FAB]  }
0x2b: {  	s6 =	sld [smem:$0x3FAC]  }
0x2c: {  	s7 =	sld [smem:$0x3FAD]  }
0x2d: {  	s3 =	simm.s32 $0x108;
	s8 =	sld [smem:$0x3FAE]  }
0x2e: {  	s3 =	simm.s32 @!p0 $0x1082;
	s9 =	sld [smem:$0x3FAF]  }
0x2f: {  	lr =	sadd.s32 s0, s3;
	s0 =	sld [smem:$0x3FA6]  }
0x30: {  	s3 =	sld [smem:$0x3FA9]  }
0x31: {  	[smem:$0x3FB2] =	sst s10  }
0x32: {  	s10 =	sld [smem:$0x3FB0];
	_ =	sdelay $0x3  }
0x33: {  	p0 =	seq.s32 s10, $0x1;
	s10 =	sld [smem:$0x3FB2];
	_ =	sdelay $0x3  }
0x34: {  	[smem:$0x3FB2] =	sst s10  }
0x35: {  	s10 =	sld [smem:$0x3FB1];
	_ =	sdelay $0x3  }
0x36: {  	p1 =	seq.s32 s10, $0x1;
	s10 =	sld [smem:$0x3FB2];
	_ =	sdelay $0x3  }
0x37: {  	[smem:$0x3FB2] =	sst s10  }
0x38: {  	s10 =	sld [smem:$0x3FB3]  }
0x39: {  	_ = 	snop;
	(pc) =	sbr.ind lr, $3  }
0x3a: {  	_ = 	snop  }
0x3b: {  	_ = 	snop  }
0x3c: {  	p2 =	seq.s32 s10, $0x1;
	s10 =	sld [smem:$0x3FB2]  }
0x3d: {  	_ =	shalt  }
0x3e: {  	_ =	shalt  }
0x3f: {  	_ =	shalt  }
0x40: {  	_ =	shalt  }
0x41: {  	_ =	shalt  }
0x42: {  	_ =	shalt  }
0x43: {  	_ =	shalt  }
0x44: {  	_ =	shalt  }
0x45: {  	_ =	shalt  }
0x46: {  	_ =	shalt  }
0x47: {  	_ =	shalt  }
0x48: {  	_ =	shalt  }
0x49: {  	_ =	shalt  }
0x4a: {  	_ =	shalt  }
0x4b: {  	_ =	shalt  }
0x4c: {  	_ =	shalt  }
0x4d: {  	_ =	shalt  }
0x4e: {  	_ =	shalt  }
0x4f: {  	_ =	shalt  }
0x50: {  	_ =	shalt  }
0x51: {  	_ =	shalt  }
0x52: {  	_ =	shalt  }
0x53: {  	_ =	shalt  }
0x54: {  	_ =	shalt  }
0x55: {  	_ =	shalt  }
0x56: {  	_ =	shalt  }
0x57: {  	_ =	shalt  }
0x58: {  	_ =	shalt  }
0x59: {  	_ =	shalt  }
0x5a: {  	_ =	shalt  }
0x5b: {  	_ =	shalt  }
0x5c: {  	_ =	shalt  }
0x5d: {  	_ =	shalt  }
0x5e: {  	_ =	shalt  }
0x5f: {  	_ =	shalt  }
0x60: {  	_ =	shalt  }
0x61: {  	_ =	shalt  }
0x62: {  	_ =	shalt  }
0x63: {  	_ =	shalt  }
0x64: {  	_ =	shalt  }
0x65: {  	_ =	shalt  }
0x66: {  	_ =	shalt  }
0x67: {  	_ =	shalt  }
0x68: {  	_ =	shalt  }
0x69: {  	_ =	shalt  }
0x6a: {  	_ =	shalt  }
0x6b: {  	_ =	shalt  }
0x6c: {  	_ =	shalt  }
0x6d: {  	_ =	shalt  }
0x6e: {  	_ =	shalt  }
0x6f: {  	_ =	shalt  }
0x70: {  	_ =	shalt  }
0x71: {  	_ =	shalt  }
0x72: {  	_ =	shalt  }
0x73: {  	_ =	shalt  }
0x74: {  	_ =	shalt  }
0x75: {  	_ =	shalt  }
0x76: {  	_ =	shalt  }
0x77: {  	_ =	shalt  }
0x78: {  	_ =	shalt  }
0x79: {  	_ =	shalt  }
0x7a: {  	_ =	shalt  }
0x7b: {  	_ =	shalt  }
0x7c: {  	_ =	shalt  }
0x7d: {  	_ =	shalt  }
0x7e: {  	_ =	shalt  }
0x7f: {  	_ =	shalt  }
0x80: {  	_ =	shalt  }
0x81: {  	_ =	shalt  }
0x82: {  	_ =	shalt  }
0x83: {  	_ =	shalt  }
0x84: {  	_ =	shalt  }
0x85: {  	_ =	shalt  }
0x86: {  	_ =	shalt  }
0x87: {  	_ =	shalt  }
.Lfunc_end0:
.L_simem_size_0:
called_computation.1_lowered:
.L_overlay_start_0:
0x88: {  	s2 =	sld [smem:$0x3FD9]  }
0x89: {  	s3 =	sld [smem:$0x3FFE];
	_ =	sdelay $0x1  }
0x8a: {  	s1 =	srdreg.scid  }
0x8b: {  	s0 =	sand.u32 $0x1, s1  }
0x8c: {  	s15 =	sshll.u32 s0, $0xA;
	s2 =	sadd.s32 s3, s2  }
0x8d: {  	s2 =	sadd.s32 s2, s15  }
0x8e: {  	[smem:$0x3FBE] =	sst s2  }
0x8f: {  	_ = 	snop  }
0x90: {  	s2 =	sld [smem:$0x3FD0];
	_ =	sdelay $0x2  }
0x91: {  	s16 =	simm.s32 $0xB;
	s4 =	simm.s32 $0x10  }
0x92: {  	[smem:s4], [sflag:s16] =	dma.local [hbm:s2], $0x1  }
0x93: {  	_ =	swait.eq [sflag:s16], $0x1  }
0x94: {  	[sflag:s16] =	ssyncset.done $0x0  }
0x95: {  	[sflag:s16] =	ssyncadd.s32 $0xFFFFFFFF  }
0x96: {  	s17 =	sld [smem:$0x10];
	(tm) =	ssettm $0x1  }
0x97: {  	s18 =	sld [smem:$0x3FFB];
	_ =	sdelay $0x3  }
0x98: {  	_ =	strace s18  }
0x99: {  	s2 =	sld [smem:$0x3FFC];
	_ =	sdelay $0x3  }
0x9a: {  	_ =	strace s2  }
0x9b: {  	s2 =	sld [smem:$0x3FFD];
	_ =	sdelay $0x3  }
0x9c: {  	_ =	strace s2  }
0x9d: {  	_ =	strace $0x8FFFFFFF  }
0x9e: {  	s19 =	sld [smem:$0x3FDB];
	_ =	sdelay $0x1  }
0x9f: {  	s20 =	simm.s32 $_scs_section_size  }
0xa0: {  	s5 =	simm.s32 $_size__tile_overlayer_lowered;
	s6 =	simm.s32 $_tile_overlayer_lowered  }
0xa1: {  	s7 =	simm.s32 $0x1BFF;
	s21 =	sshll.u32 s6, $0x1;
	s4 =	sadd.s32 s20, s19  }
0xa2: {  	s22 =	simm.s32 $0x0;
	s5 =	sshll.u32 s5, $0x1;
	s6 =	sadd.s32 s21, s4  }
0xa3: {  	[timem:s22], [sflag:s7] =	dma.local [hbm:s6], s5  }
0xa4: {  	_ =	swait.ge [sflag:s7], s5  }
0xa5: {  	s5 =	ssub.s32 $0x0, s5;
	[sflag:s7] =	ssyncset.done $0x0  }
0xa6: {  	[sflag:s7] =	ssyncadd.s32 s5;
	_ =	sdelay $0x1  }
0xa7: {  	s23 =	simm.s32 $0x1B8B  }
0xa8: {  	_ =	swait.ge [sflag:s23], $0x1  }
0xa9: {  	[sflag:s23] =	ssyncset.done $0x0  }
0xaa: {  	[sflag:s23] =	ssyncadd.s32 $0xFFFFFFFF  }
0xab: {  	s5 =	sld [smem:$0x0]  }
0xac: {  	s6 =	sand.u32 $0xFFFFFFFE, s1  }
0xad: {  	p0 =	sne.s32 s1, s6  }
0xae: {  	s6 =	sshll.u32 @p0 s6, $0xE  }
0xaf: {  	s6 =	sadd.s32 @p0 $0x11B8D, s6;
	s7 =	sshll.u32 @p0 s5, $0x11  }
0xb0: {  	s6 =	sor.u32 @p0 s7, s6  }
0xb1: {  	[sflag:s6] =	ssyncadd.remote.s32 @p0 $0x1;
	_ =	sdelay $0x1  }
0xb2: {  	s6 =	simm.s32 @p0 $0x1B8D  }
0xb3: {  	_ =	swait.eq @p0 [sflag:s6], $0x1  }
0xb4: {  	[sflag:s6] =	ssyncadd.s32 @p0 $0xFFFFFFFF  }
0xb5: {  	s7 =	sshll.u32 @!p0 s1, $0xE  }
0xb6: {  	s7 =	sor.u32 @!p0 $0x4000, s7;
	s6 =	simm.s32 @!p0 $0x1B8D  }
0xb7: {  	s5 =	sshll.u32 @!p0 s5, $0x11;
	s7 =	sadd.s32 @!p0 $0x11B8D, s7;
	_ =	swait.eq @!p0 [sflag:s6], $0x1  }
0xb8: {  	s5 =	sor.u32 @!p0 s5, s7;
	[sflag:s6] =	ssyncadd.s32 @!p0 $0xFFFFFFFF  }
0xb9: {  	s25 =	simm.s32 $0x1B8E;
	s24 =	sld [smem:$0x3FFE];
	[sflag:s5] =	ssyncadd.remote.s32 @!p0 $0x1  }
0xba: {  	s26 =	simm.s32 $execute0_lowered;
	[smem:$0x3FD2] =	sst s25  }
0xbb: {  	s6 =	sshll.u32 s26, $0x1;
	_ =	strace $0x80000049;
	[dreg:$0x1] =	wrdreg $0xFFFFFFFF  }
0xbc: {  	s28 =	simm.s32 $_size_execute0_lowered;
	s4 =	sadd.s32 s4, s6;
	[dreg:$0x0] =	wrdreg $0x0  }
0xbd: {  	s6 =	sshll.u32 s28, $0x1;
	[dreg:$0x2] =	wrdreg s4  }
0xbe: {  	[dreg:$0x3] =	wrdreg s6  }
0xbf: {  	[dreg:$0x4] =	wrdreg $0xC0  }
0xc0: {  	_ =	task [dreg:s22], $0x5FFFF  }
0xc1: {  	[dreg:$0x1] =	wrdreg $0xFFFFFFFF  }
0xc2: {  	[dreg:$0x0] =	wrdreg $0x60  }
0xc3: {  	[dreg:$0x2] =	wrdreg s24  }
0xc4: {  	[dreg:$0x3] =	wrdreg s17  }
0xc5: {  	[dreg:$0x4] =	wrdreg $0xA  }
0xc6: {  	_ =	task.clear_ibuf [dreg:s22], $0x5FFFF;
	_ =	strace $0x90000049  }
0xc7: {  	s29 =	simm.s32 $0xA;
	_ =	strace $0x8000004B  }
0xc8: {  	_ =	swait.ge [sflag:s29], $0x1  }
0xc9: {  	[sflag:s29] =	ssyncadd.s32 $0xFFFFFFFF  }
0xca: {  	_ =	strace $0x9000004B  }
0xcb: {  	_ =	sfence  }
0xcc: {  	s30 =	sld [smem:$0x0];
	_ =	sdelay $0x2  }
0xcd: {  	s31 =	sshll.u32 s1, $0xD;
	s1 =	sshrl.u32 s1, $0x2  }
0xce: {  	s4 =	sand.u32 $0x4000, s31;
	s1 =	sadd.s32 s1, s30  }
0xcf: {  	s0 =	sor.u32 s4, s0;
	s1 =	sshll.u32 s1, $0x11  }
0xd0: {  	s0 =	sor.u32 s1, s0  }
0xd1: {  	s0 =	sadd.s32 $0x8F2B, s0  }
0xd2: {  	[sflag:s0] =	ssyncadd.remote.s32 $0x1  }
0xd3: {  	_ =	sfence.sel $0xFFFF  }
0xd4: {  	[dreg:$0x0] =	wrdreg $0xFFFFFFFF;
	(pc) =	sbr.abs _section_cstart, $3  }
0xd5: {  	[dreg:$0x1] =	wrdreg $0xFFFFFFFF  }
0xd6: {  	_ =	task.clear_ibuf [dreg:s22], $0x2FFFF;
	_ =	strace $0x9FFFFFFF  }
0xd7: {  	(tm) =	ssettm $0x7FFFFFFF  }
tec
execute0_lowered:
.L_overlay_start_1:
0x0: {  	(tag) =	ssettag $0x1  }
0x1: {  	s3 =	rddreg [dreg:$0x0]  }
0x2: {  	s1 =	srdreg.scid;
	s0 =	stileid.u32  }
0x3: {  	s4 =	rddreg [dreg:$0x1];
	s9 =	simm.s32 $0x400;
	s10 =	simm.s32 $0x0  }
0x4: {  	s5 =	sand.u32 $0x1, s1;
	s2 =	sshll.u32 s0, $0x1;
	s1 =	rddreg [dreg:$0x2]  }
0x5: {  	s7 =	sshrl.u32 s0, $0x2;
	s6 =	sor.u32 s5, s2;
	s2 =	simm.s32 $0x0  }
0x6: {  	s7 =	smul.u32 $0x14000, s7;
	s5 =	ssub.s32 $0x2, s5;
	s8 =	sshll.u32 s6, $0x7  }
0x7: {  	[smem:$0x7FF] =	sst s2;
	s6 =	smul.u32 $0x4E2, s6;
	s31 =	sshrl.u32 s5, $0x1  }
0x8: {  	s8 =	sand.u32 $0x380, s8;
	_ =	strace $0x8000004A;
	s5 =	ssub.s32 s5, s31  }
0x9: {  	s7 =	sor.u32 s7, s8;
	s3 =	sadd.s32 s6, s3;
	s5 =	smax.u32 s5, $0x1  }
0xa: {  	s6 =	simm.s32 $0x1;
	s8 =	simm.s32 $0x80;
	s7 =	sshrl.u32 s7, $0x3  }
0xb: {  	v0 =	vimm.s32 $0x0;
	v1 =	vimm.s32 $0x1;
	s3 =	sadd.s32 $0xC800, s3;
	s4 =	sadd.s32 s4, s7;
	s7 =	simm.s32 $0x2780  }
.LBB2_1:
0xc: {  	[tilespmem:s2], [sflag:$0x1] =	stream.linear.gather [hbm4b:s3+s2], $0x2710, $0x38;
	[tilespmem:$0x4F80] =	vst v63  }
0xd: {  	_ =	swait.ge [sflag:s6], $0x2710  }
0xe: {  	[sflag:s6] =	ssyncset.done $0x0  }
0xf: {  	s11 =	simm.s32 $0x0;
	[sflag:s6] =	ssyncadd.s32 $0xFFFFD8F0  }
.LBB2_2:
0x10: {  	p0 =	sne.s32 s11, $0x9FC0  }
.Ltmp0:
0x11: {  	_ = 	snop;
	(pc) =	sbr.rel @p0 .LBB2_2-.Ltmp0, $3  }
0x12: {  	_ =	sdelay $0x1  }
0x13: {  	s12 =	sshra.s32 s11, $0x2  }
0x14: {  	s11 =	sadd.s32 $0x40, s11;
	[tilespmem:s12+$0x2780] =	vst v0  }
0x15: {  	s12 =	simm.s32 $0x0;
	s11 =	simm.s32 $0x40  }
.LBB2_4:
0x16: {  	p0 =	sne.s32 s11, $0x9C00;
	v2 =	vld [tilespmem:s12+$0x0];
	_ =	sdelay $0x3  }
.Ltmp1:
0x17: {  	(pc) =	sbr.rel @p0 .LBB2_4-.Ltmp1, $2  }
0x18: {  	_ =	sdelay $0x2  }
0x19: {  	s12 =	sshra.s32 s11, $0x2;
	s11 =	sadd.s32 $0x40, s11;
	[tilespmem:v2+s7+$0x0] =	vst.idx.msk $0xffff, v1  }
0x1a: {  	v2 =	vld [tilespmem:s12+$0x0];
	_ =	sdelay $0x5  }
0x1b: {  	s10 =	sadd.s32 $0x1, s10  }
0x1c: {  	p0 =	sne.s32 s10, s5  }
.Ltmp2:
0x1d: {  	[tilespmem:v2+s7+$0x0] =	vst.idx.msk $0xffff, v1;
	(pc) =	sbr.rel @p0 .LBB2_1-.Ltmp2, $4  }
0x1e: {  	[hbm4b:s4+s8] =	stream.strided.scatter [tilespmem:s7], [sflag:$0x1], $0x2800, s9, s8, $0x38;
	[tilespmem:$0x4F80] =	vst v63  }
0x1f: {  	_ =	swait.ge [sflag:s6], $0x2800  }
0x20: {  	[sflag:s6] =	ssyncset.done $0x0  }
0x21: {  	[sflag:s6] =	ssyncadd.s32 $0xFFFFD800  }
0x22: {  	_ =	sfence.sel $0x180000  }
0x23: {  	[bflag:$0x0] =	sbarrier.arrive $0xFFFF  }
0x24: {  	p0 =	sne.s32 s0, $0x0;
	_ =	strace $0x9000004A  }
0x25: {  	s0 =	sadd.s32 @!p0 $0x100000, s1;
	[bflag:$0x2] =	sbarrier.arrive $0xFFFF  }
0x26: {  	[sflag:s0] =	ssyncadd.tile.s32 @!p0 $0x1;
	_ =	shalt  }
.Lfunc_end2:
_tile_overlayer_lowered:
.L_overlay_start_2:
0x27: {  	(tag) =	ssettag $0x2  }
0x28: {  	s0 =	rddreg [dreg:$0x0];
	s2 =	stileid.u32  }
0x29: {  	s1 =	rddreg [dreg:$0x1];
	p0 =	sne.s32 s2, $0x0  }
0x2a: {  	s3 =	rddreg [dreg:$0x2];
	[bflag:$0x3] =	sbarrier.arrive $0xFFFF;
	s2 =	simm.s32 @!p0 $0x1C01  }
0x2b: {  	[timem:s3], [sflag:s2] =	dma.local @!p0 [hbm:s0], s1  }
0x2c: {  	s0 =	simm.s32 @!p0 $0x1  }
0x2d: {  	_ =	swait.ge @!p0 [sflag:s0], s1  }
0x2e: {  	s1 =	ssub.s32 @!p0 $0x0, s1;
	[sflag:s0] =	ssyncset.done @!p0 $0x0  }
0x2f: {  	[sflag:s0] =	ssyncadd.s32 @!p0 s1  }
0x30: {  	[bflag:$0x3] =	sbarrier.arrive $0xFFFF  }
0x31: {  	_ =	shalt  }

</sc_bundles>
